<compile_context>
chip_gen: v7x
topology: tpu7x:2x2x1
jax: 0.10.2.dev20260603
libtpu: 0.0.44.dev20260713+nightly
codegen_flags: <defaults>
</compile_context>

<pallas_src>
import functools

import jax
import jax.numpy as jnp
from jax import lax
from jax.experimental import pallas as pl
from jax.experimental.pallas import tpu as pltpu
from jax.experimental.pallas import tpu_sc as plsc

DIM = 32
B = 16384 * 50
NC = 2
NS = 16
NW = NC * NS
B_PER_W = B // NW
NSTREAM = 4
CH = 400
RCH = NSTREAM * CH
ROUNDS = B_PER_W // RCH


def _make_gather():
    mesh = plsc.VectorSubcoreMesh(core_axis_name="c", subcore_axis_name="s")

    row_buf = pltpu.VMEM((CH, DIM), jnp.float32)

    @functools.partial(
        pl.kernel,
        mesh=mesh,
        out_type=jax.ShapeDtypeStruct((B, DIM), jnp.float32),
        scratch_types=[
            pltpu.VMEM((B_PER_W,), jnp.int32),
            [[row_buf] * NSTREAM, [row_buf] * NSTREAM],
            pltpu.SemaphoreType.DMA,
            pltpu.SemaphoreType.DMA,
            pltpu.SemaphoreType.DMA,
            pltpu.SemaphoreType.DMA,
        ],
        compiler_params=pltpu.CompilerParams(use_tc_tiling_on_sc=False),
    )
    def gather_kernel(x_hbm, table_hbm, out_hbm, idx_v, banks,
                      gsem0, gsem1, wsem0, wsem1):
        wid = lax.axis_index("s") * NC + lax.axis_index("c")
        base = pl.multiple_of(wid * B_PER_W, 8)
        pltpu.sync_copy(x_hbm.at[pl.ds(base, B_PER_W)], idx_v)

        gsems = (gsem0, gsem1)
        wsems = (wsem0, wsem1)

        def gath(r, s, p):
            off = pl.multiple_of(r * RCH + s * CH, 8)
            return pltpu.make_async_copy(
                table_hbm.at[idx_v.at[pl.ds(off, CH)]], banks[p][s], gsems[p]
            )

        def writ(r, s, p):
            off = pl.multiple_of(r * RCH + s * CH, 8)
            return pltpu.make_async_copy(
                banks[p][s], out_hbm.at[pl.ds(base + off, CH)], wsems[p]
            )

        def body(i, carry):
            r0 = 2 * i
            r1 = 2 * i + 1

            @pl.when(i > 0)
            def _():
                for s in range(NSTREAM):
                    writ(0, s, 0).wait()

            for s in range(NSTREAM):
                gath(r0, s, 0).start()

            @pl.when(i > 0)
            def _():
                for s in range(NSTREAM):
                    writ(0, s, 1).wait()

            for s in range(NSTREAM):
                gath(r1, s, 1).start()
            for s in range(NSTREAM):
                gath(r0, s, 0).wait()
            for s in range(NSTREAM):
                writ(r0, s, 0).start()
            for s in range(NSTREAM):
                gath(r1, s, 1).wait()
            for s in range(NSTREAM):
                writ(r1, s, 1).start()
            return carry

        lax.fori_loop(0, ROUNDS // 2, body, 0)
        for p in range(2):
            for s in range(NSTREAM):
                writ(0, s, p).wait()

    return gather_kernel


_gather = _make_gather()


@jax.jit
def kernel(x, table):
    out = _gather(x.reshape(-1).astype(jnp.int32), table)
    return out.reshape(x.shape + (DIM,))

# --- scband reference (transcript-rebuilt; emitter-appended) ---
"""Pipeline reference for scband-model-87857851007210 (READ-ONLY COPY).

The authoritative reference and input builder live on the scoring server;
editing this copy changes nothing except your own understanding.
"""

import jax, jax.numpy as jnp
import numpy as np

NUM_EMBEDDINGS = 1000000
EMBEDDING_DIM = 32

def setup_inputs(seed: int = 0) -> dict:
    key = jax.random.key(seed)
    k1, k2 = jax.random.split(key)
    x = jax.random.randint(k1, (16384, 50), 0, NUM_EMBEDDINGS, dtype=jnp.int64 if jax.config.jax_enable_x64 else jnp.int32)
    table = jax.random.normal(k2, (NUM_EMBEDDINGS, EMBEDDING_DIM), dtype=jnp.float32)
    return {"x": x, "table": table}

def reference(x, table):
    # torch.nn.Embedding forward == row gather from the weight table
    return jnp.take(table, x, axis=0)

if __name__ == "__main__":
    import jax
    _d = setup_inputs()
    print(jax.jit(kernel)(*tuple(_d.values())))

</pallas_src>

<mosaic_0001>
#map = affine_map<(d0, d1) -> (0)>
#map1 = affine_map<(d0, d1) -> (0, 0)>
module attributes {stable_mosaic.version = 14 : i64} {
  func.func @gather_kernel(%arg0: i32, %arg1: i32, %arg2: memref<819200xi32, #tpu.memory_space<hbm>>, %arg3: memref<1000000x32xf32, #tpu.memory_space<hbm>>, %arg4: memref<819200x32xf32, #tpu.memory_space<hbm>>, %arg5: memref<25600xi32, #tpu.memory_space<vmem>>, %arg6: memref<400x32xf32, #tpu.memory_space<vmem>>, %arg7: memref<400x32xf32, #tpu.memory_space<vmem>>, %arg8: memref<400x32xf32, #tpu.memory_space<vmem>>, %arg9: memref<400x32xf32, #tpu.memory_space<vmem>>, %arg10: memref<400x32xf32, #tpu.memory_space<vmem>>, %arg11: memref<400x32xf32, #tpu.memory_space<vmem>>, %arg12: memref<400x32xf32, #tpu.memory_space<vmem>>, %arg13: memref<400x32xf32, #tpu.memory_space<vmem>>, %arg14: memref<!tpu.dma_semaphore, #tpu.memory_space<semaphore_mem>>, %arg15: memref<!tpu.dma_semaphore, #tpu.memory_space<semaphore_mem>>, %arg16: memref<!tpu.dma_semaphore, #tpu.memory_space<semaphore_mem>>, %arg17: memref<!tpu.dma_semaphore, #tpu.memory_space<semaphore_mem>>) attributes {dimension_semantics = [#tpu.dimension_semantics<core_parallel>, #tpu.dimension_semantics<subcore_parallel>], iteration_bounds = array<i64: 2, 16>, scalar_prefetch = 0 : i64, scratch_operands = 13 : i64, tpu.core_type = #tpu.core_type<sc_vector_subcore>, window_params = [{transform_indices = #map}, {transform_indices = #map1}, {transform_indices = #map1}]} {
    %mul3A = arith.constant 2 : i32
    %mul3A_0 = arith.muli %arg1, %mul3A : i32
    %add3A = arith.addi %mul3A_0, %arg0 : i32
    %mul3A_1 = arith.constant 25600 : i32
    %mul3A_2 = arith.muli %add3A, %mul3A_1 : i32
    %multiple_of3A = tpu.assume_multiple %mul3A_2, 8 : i32
    "tpu.region"() ({
      %run_scoped3A = tpu.sem_alloc : memref<!tpu.dma_semaphore, #tpu.memory_space<semaphore_mem>>
      %dma_start3A = tpu.memref_slice %arg2[%multiple_of3A] : memref<819200xi32, #tpu.memory_space<hbm>> -> memref<25600xi32, #tpu.memory_space<hbm>>
      %dma_start3A_63 = tpu.memref_slice %arg2[%multiple_of3A] : memref<819200xi32, #tpu.memory_space<hbm>> -> memref<25600xi32, #tpu.memory_space<hbm>>
      tpu.enqueue_dma source(%dma_start3A_63 : memref<25600xi32, #tpu.memory_space<hbm>>) target(%arg5 : memref<25600xi32, #tpu.memory_space<vmem>>) target_semaphore(%run_scoped3A : memref<!tpu.dma_semaphore, #tpu.memory_space<semaphore_mem>>)
      %dma_wait3A_64 = tpu.memref_slice %arg2[%multiple_of3A] : memref<819200xi32, #tpu.memory_space<hbm>> -> memref<25600xi32, #tpu.memory_space<hbm>>
      %dma_wait3A_65 = tpu.memref_slice %arg2[%multiple_of3A] : memref<819200xi32, #tpu.memory_space<hbm>> -> memref<25600xi32, #tpu.memory_space<hbm>>
      tpu.wait_dma2 semaphore(%run_scoped3A : memref<!tpu.dma_semaphore, #tpu.memory_space<semaphore_mem>>) src(%dma_wait3A_65 : memref<25600xi32, #tpu.memory_space<hbm>>) dst(%arg5 : memref<25600xi32, #tpu.memory_space<vmem>>)
      tpu.yield
    }) : () -> ()
    %scan3A = arith.constant 0 : i32
    %scan3A_3 = arith.constant 0 : i32
    %scan3A_4 = arith.constant 8 : i32
    %scan3A_5 = arith.addi %scan3A_3, %scan3A_4 : i32
    %scan3A_6 = arith.constant 1 : i32
    scf.for %scan3A_63 = %scan3A_3 to %scan3A_5 step %scan3A_6  : i32 {
      %mul3A_64 = arith.constant 2 : i32
      %mul3A_65 = arith.muli %mul3A_64, %scan3A_63 : i32
      %mul3A_66 = arith.constant 2 : i32
      %mul3A_67 = arith.muli %mul3A_66, %scan3A_63 : i32
      %add3A_68 = arith.constant 1 : i32
      %add3A_69 = arith.addi %mul3A_67, %add3A_68 : i32
      %gt3A = arith.constant 0 : i32
      %gt3A_70 = arith.cmpi sgt, %scan3A_63, %gt3A : i32
      %convert_element_type3A = arith.extui %gt3A_70 : i1 to i32
      %cond3A = arith.constant 0 : i32
      %cond3A_71 = arith.cmpi ne, %convert_element_type3A, %cond3A : i32
      scf.if %cond3A_71 {
        %multiple_of3A_300 = arith.constant 0 : i32
        %multiple_of3A_301 = tpu.assume_multiple %multiple_of3A_300, 8 : i32
        %add3A_302 = arith.addi %multiple_of3A, %multiple_of3A_301 : i32
        %dma_wait3A_303 = arith.constant 0 : i32
        %dma_wait3A_304 = tpu.memref_slice %arg4[%add3A_302, %dma_wait3A_303] : memref<819200x32xf32, #tpu.memory_space<hbm>> -> memref<400x32xf32, #tpu.memory_space<hbm>>
        %dma_wait3A_305 = arith.constant 0 : i32
        %dma_wait3A_306 = tpu.memref_slice %arg4[%add3A_302, %dma_wait3A_305] : memref<819200x32xf32, #tpu.memory_space<hbm>> -> memref<400x32xf32, #tpu.memory_space<hbm>>
        tpu.wait_dma2 semaphore(%arg16 : memref<!tpu.dma_semaphore, #tpu.memory_space<semaphore_mem>>) src(%arg6 : memref<400x32xf32, #tpu.memory_space<vmem>>) dst(%dma_wait3A_306 : memref<400x32xf32, #tpu.memory_space<hbm>>)
        %multiple_of3A_307 = arith.constant 400 : i32
        %multiple_of3A_308 = tpu.assume_multiple %multiple_of3A_307, 8 : i32
        %add3A_309 = arith.addi %multiple_of3A, %multiple_of3A_308 : i32
        %dma_wait3A_310 = arith.constant 0 : i32
        %dma_wait3A_311 = tpu.memref_slice %arg4[%add3A_309, %dma_wait3A_310] : memref<819200x32xf32, #tpu.memory_space<hbm>> -> memref<400x32xf32, #tpu.memory_space<hbm>>
        %dma_wait3A_312 = arith.constant 0 : i32
        %dma_wait3A_313 = tpu.memref_slice %arg4[%add3A_309, %dma_wait3A_312] : memref<819200x32xf32, #tpu.memory_space<hbm>> -> memref<400x32xf32, #tpu.memory_space<hbm>>
        tpu.wait_dma2 semaphore(%arg16 : memref<!tpu.dma_semaphore, #tpu.memory_space<semaphore_mem>>) src(%arg7 : memref<400x32xf32, #tpu.memory_space<vmem>>) dst(%dma_wait3A_313 : memref<400x32xf32, #tpu.memory_space<hbm>>)
        %multiple_of3A_314 = arith.constant 800 : i32
        %multiple_of3A_315 = tpu.assume_multiple %multiple_of3A_314, 8 : i32
        %add3A_316 = arith.addi %multiple_of3A, %multiple_of3A_315 : i32
        %dma_wait3A_317 = arith.constant 0 : i32
        %dma_wait3A_318 = tpu.memref_slice %arg4[%add3A_316, %dma_wait3A_317] : memref<819200x32xf32, #tpu.memory_space<hbm>> -> memref<400x32xf32, #tpu.memory_space<hbm>>
        %dma_wait3A_319 = arith.constant 0 : i32
        %dma_wait3A_320 = tpu.memref_slice %arg4[%add3A_316, %dma_wait3A_319] : memref<819200x32xf32, #tpu.memory_space<hbm>> -> memref<400x32xf32, #tpu.memory_space<hbm>>
        tpu.wait_dma2 semaphore(%arg16 : memref<!tpu.dma_semaphore, #tpu.memory_space<semaphore_mem>>) src(%arg8 : memref<400x32xf32, #tpu.memory_space<vmem>>) dst(%dma_wait3A_320 : memref<400x32xf32, #tpu.memory_space<hbm>>)
        %multiple_of3A_321 = arith.constant 1200 : i32
        %multiple_of3A_322 = tpu.assume_multiple %multiple_of3A_321, 8 : i32
        %add3A_323 = arith.addi %multiple_of3A, %multiple_of3A_322 : i32
        %dma_wait3A_324 = arith.constant 0 : i32
        %dma_wait3A_325 = tpu.memref_slice %arg4[%add3A_323, %dma_wait3A_324] : memref<819200x32xf32, #tpu.memory_space<hbm>> -> memref<400x32xf32, #tpu.memory_space<hbm>>
        %dma_wait3A_326 = arith.constant 0 : i32
        %dma_wait3A_327 = tpu.memref_slice %arg4[%add3A_323, %dma_wait3A_326] : memref<819200x32xf32, #tpu.memory_space<hbm>> -> memref<400x32xf32, #tpu.memory_space<hbm>>
        tpu.wait_dma2 semaphore(%arg16 : memref<!tpu.dma_semaphore, #tpu.memory_space<semaphore_mem>>) src(%arg9 : memref<400x32xf32, #tpu.memory_space<vmem>>) dst(%dma_wait3A_327 : memref<400x32xf32, #tpu.memory_space<hbm>>)
      } else {
      }
      %mul3A_72 = arith.constant 1600 : i32
      %mul3A_73 = arith.muli %mul3A_65, %mul3A_72 : i32
      %add3A_74 = arith.constant 0 : i32
      %add3A_75 = arith.addi %mul3A_73, %add3A_74 : i32
      %multiple_of3A_76 = tpu.assume_multiple %add3A_75, 8 : i32
      %dma_start3A = tpu.memref_slice %arg5[%multiple_of3A_76] : memref<25600xi32, #tpu.memory_space<vmem>> -> memref<400xi32, #tpu.memory_space<vmem>>
      %dma_start3A_77 = arith.constant 0 : i32
      %dma_start3A_78 = arith.constant 0 : i32
      %dma_start3A_79 = tpu.memref_slice %arg3[%dma_start3A_77, %dma_start3A_78] : memref<1000000x32xf32, #tpu.memory_space<hbm>> -> memref<1000000x32xf32, #tpu.memory_space<hbm>>
      tpu.enqueue_indirect_dma source(%dma_start3A_79 : memref<1000000x32xf32, #tpu.memory_space<hbm>>) target(%arg6 : memref<400x32xf32, #tpu.memory_space<vmem>>) offsets(%dma_start3A : memref<400xi32, #tpu.memory_space<vmem>>) semaphore(%arg14 : memref<!tpu.dma_semaphore, #tpu.memory_space<semaphore_mem>>)
      %mul3A_80 = arith.constant 1600 : i32
      %mul3A_81 = arith.muli %mul3A_65, %mul3A_80 : i32
      %add3A_82 = arith.constant 400 : i32
      %add3A_83 = arith.addi %mul3A_81, %add3A_82 : i32
      %multiple_of3A_84 = tpu.assume_multiple %add3A_83, 8 : i32
      %dma_start3A_85 = tpu.memref_slice %arg5[%multiple_of3A_84] : memref<25600xi32, #tpu.memory_space<vmem>> -> memref<400xi32, #tpu.memory_space<vmem>>
      %dma_start3A_86 = arith.constant 0 : i32
      %dma_start3A_87 = arith.constant 0 : i32
      %dma_start3A_88 = tpu.memref_slice %arg3[%dma_start3A_86, %dma_start3A_87] : memref<1000000x32xf32, #tpu.memory_space<hbm>> -> memref<1000000x32xf32, #tpu.memory_space<hbm>>
      tpu.enqueue_indirect_dma source(%dma_start3A_88 : memref<1000000x32xf32, #tpu.memory_space<hbm>>) target(%arg7 : memref<400x32xf32, #tpu.memory_space<vmem>>) offsets(%dma_start3A_85 : memref<400xi32, #tpu.memory_space<vmem>>) semaphore(%arg14 : memref<!tpu.dma_semaphore, #tpu.memory_space<semaphore_mem>>)
      %mul3A_89 = arith.constant 1600 : i32
      %mul3A_90 = arith.muli %mul3A_65, %mul3A_89 : i32
      %add3A_91 = arith.constant 800 : i32
      %add3A_92 = arith.addi %mul3A_90, %add3A_91 : i32
      %multiple_of3A_93 = tpu.assume_multiple %add3A_92, 8 : i32
      %dma_start3A_94 = tpu.memref_slice %arg5[%multiple_of3A_93] : memref<25600xi32, #tpu.memory_space<vmem>> -> memref<400xi32, #tpu.memory_space<vmem>>
      %dma_start3A_95 = arith.constant 0 : i32
      %dma_start3A_96 = arith.constant 0 : i32
      %dma_start3A_97 = tpu.memref_slice %arg3[%dma_start3A_95, %dma_start3A_96] : memref<1000000x32xf32, #tpu.memory_space<hbm>> -> memref<1000000x32xf32, #tpu.memory_space<hbm>>
      tpu.enqueue_indirect_dma source(%dma_start3A_97 : memref<1000000x32xf32, #tpu.memory_space<hbm>>) target(%arg8 : memref<400x32xf32, #tpu.memory_space<vmem>>) offsets(%dma_start3A_94 : memref<400xi32, #tpu.memory_space<vmem>>) semaphore(%arg14 : memref<!tpu.dma_semaphore, #tpu.memory_space<semaphore_mem>>)
      %mul3A_98 = arith.constant 1600 : i32
      %mul3A_99 = arith.muli %mul3A_65, %mul3A_98 : i32
      %add3A_100 = arith.constant 1200 : i32
      %add3A_101 = arith.addi %mul3A_99, %add3A_100 : i32
      %multiple_of3A_102 = tpu.assume_multiple %add3A_101, 8 : i32
      %dma_start3A_103 = tpu.memref_slice %arg5[%multiple_of3A_102] : memref<25600xi32, #tpu.memory_space<vmem>> -> memref<400xi32, #tpu.memory_space<vmem>>
      %dma_start3A_104 = arith.constant 0 : i32
      %dma_start3A_105 = arith.constant 0 : i32
      %dma_start3A_106 = tpu.memref_slice %arg3[%dma_start3A_104, %dma_start3A_105] : memref<1000000x32xf32, #tpu.memory_space<hbm>> -> memref<1000000x32xf32, #tpu.memory_space<hbm>>
      tpu.enqueue_indirect_dma source(%dma_start3A_106 : memref<1000000x32xf32, #tpu.memory_space<hbm>>) target(%arg9 : memref<400x32xf32, #tpu.memory_space<vmem>>) offsets(%dma_start3A_103 : memref<400xi32, #tpu.memory_space<vmem>>) semaphore(%arg14 : memref<!tpu.dma_semaphore, #tpu.memory_space<semaphore_mem>>)
      %gt3A_107 = arith.constant 0 : i32
      %gt3A_108 = arith.cmpi sgt, %scan3A_63, %gt3A_107 : i32
      %convert_element_type3A_109 = arith.extui %gt3A_108 : i1 to i32
      %cond3A_110 = arith.constant 0 : i32
      %cond3A_111 = arith.cmpi ne, %convert_element_type3A_109, %cond3A_110 : i32
      scf.if %cond3A_111 {
        %multiple_of3A_300 = arith.constant 0 : i32
        %multiple_of3A_301 = tpu.assume_multiple %multiple_of3A_300, 8 : i32
        %add3A_302 = arith.addi %multiple_of3A, %multiple_of3A_301 : i32
        %dma_wait3A_303 = arith.constant 0 : i32
        %dma_wait3A_304 = tpu.memref_slice %arg4[%add3A_302, %dma_wait3A_303] : memref<819200x32xf32, #tpu.memory_space<hbm>> -> memref<400x32xf32, #tpu.memory_space<hbm>>
        %dma_wait3A_305 = arith.constant 0 : i32
        %dma_wait3A_306 = tpu.memref_slice %arg4[%add3A_302, %dma_wait3A_305] : memref<819200x32xf32, #tpu.memory_space<hbm>> -> memref<400x32xf32, #tpu.memory_space<hbm>>
        tpu.wait_dma2 semaphore(%arg17 : memref<!tpu.dma_semaphore, #tpu.memory_space<semaphore_mem>>) src(%arg10 : memref<400x32xf32, #tpu.memory_space<vmem>>) dst(%dma_wait3A_306 : memref<400x32xf32, #tpu.memory_space<hbm>>)
        %multiple_of3A_307 = arith.constant 400 : i32
        %multiple_of3A_308 = tpu.assume_multiple %multiple_of3A_307, 8 : i32
        %add3A_309 = arith.addi %multiple_of3A, %multiple_of3A_308 : i32
        %dma_wait3A_310 = arith.constant 0 : i32
        %dma_wait3A_311 = tpu.memref_slice %arg4[%add3A_309, %dma_wait3A_310] : memref<819200x32xf32, #tpu.memory_space<hbm>> -> memref<400x32xf32, #tpu.memory_space<hbm>>
        %dma_wait3A_312 = arith.constant 0 : i32
        %dma_wait3A_313 = tpu.memref_slice %arg4[%add3A_309, %dma_wait3A_312] : memref<819200x32xf32, #tpu.memory_space<hbm>> -> memref<400x32xf32, #tpu.memory_space<hbm>>
        tpu.wait_dma2 semaphore(%arg17 : memref<!tpu.dma_semaphore, #tpu.memory_space<semaphore_mem>>) src(%arg11 : memref<400x32xf32, #tpu.memory_space<vmem>>) dst(%dma_wait3A_313 : memref<400x32xf32, #tpu.memory_space<hbm>>)
        %multiple_of3A_314 = arith.constant 800 : i32
        %multiple_of3A_315 = tpu.assume_multiple %multiple_of3A_314, 8 : i32
        %add3A_316 = arith.addi %multiple_of3A, %multiple_of3A_315 : i32
        %dma_wait3A_317 = arith.constant 0 : i32
        %dma_wait3A_318 = tpu.memref_slice %arg4[%add3A_316, %dma_wait3A_317] : memref<819200x32xf32, #tpu.memory_space<hbm>> -> memref<400x32xf32, #tpu.memory_space<hbm>>
        %dma_wait3A_319 = arith.constant 0 : i32
        %dma_wait3A_320 = tpu.memref_slice %arg4[%add3A_316, %dma_wait3A_319] : memref<819200x32xf32, #tpu.memory_space<hbm>> -> memref<400x32xf32, #tpu.memory_space<hbm>>
        tpu.wait_dma2 semaphore(%arg17 : memref<!tpu.dma_semaphore, #tpu.memory_space<semaphore_mem>>) src(%arg12 : memref<400x32xf32, #tpu.memory_space<vmem>>) dst(%dma_wait3A_320 : memref<400x32xf32, #tpu.memory_space<hbm>>)
        %multiple_of3A_321 = arith.constant 1200 : i32
        %multiple_of3A_322 = tpu.assume_multiple %multiple_of3A_321, 8 : i32
        %add3A_323 = arith.addi %multiple_of3A, %multiple_of3A_322 : i32
        %dma_wait3A_324 = arith.constant 0 : i32
        %dma_wait3A_325 = tpu.memref_slice %arg4[%add3A_323, %dma_wait3A_324] : memref<819200x32xf32, #tpu.memory_space<hbm>> -> memref<400x32xf32, #tpu.memory_space<hbm>>
        %dma_wait3A_326 = arith.constant 0 : i32
        %dma_wait3A_327 = tpu.memref_slice %arg4[%add3A_323, %dma_wait3A_326] : memref<819200x32xf32, #tpu.memory_space<hbm>> -> memref<400x32xf32, #tpu.memory_space<hbm>>
        tpu.wait_dma2 semaphore(%arg17 : memref<!tpu.dma_semaphore, #tpu.memory_space<semaphore_mem>>) src(%arg13 : memref<400x32xf32, #tpu.memory_space<vmem>>) dst(%dma_wait3A_327 : memref<400x32xf32, #tpu.memory_space<hbm>>)
      } else {
      }
      %mul3A_112 = arith.constant 1600 : i32
      %mul3A_113 = arith.muli %add3A_69, %mul3A_112 : i32
      %add3A_114 = arith.constant 0 : i32
      %add3A_115 = arith.addi %mul3A_113, %add3A_114 : i32
      %multiple_of3A_116 = tpu.assume_multiple %add3A_115, 8 : i32
      %dma_start3A_117 = tpu.memref_slice %arg5[%multiple_of3A_116] : memref<25600xi32, #tpu.memory_space<vmem>> -> memref<400xi32, #tpu.memory_space<vmem>>
      %dma_start3A_118 = arith.constant 0 : i32
      %dma_start3A_119 = arith.constant 0 : i32
      %dma_start3A_120 = tpu.memref_slice %arg3[%dma_start3A_118, %dma_start3A_119] : memref<1000000x32xf32, #tpu.memory_space<hbm>> -> memref<1000000x32xf32, #tpu.memory_space<hbm>>
      tpu.enqueue_indirect_dma source(%dma_start3A_120 : memref<1000000x32xf32, #tpu.memory_space<hbm>>) target(%arg10 : memref<400x32xf32, #tpu.memory_space<vmem>>) offsets(%dma_start3A_117 : memref<400xi32, #tpu.memory_space<vmem>>) semaphore(%arg15 : memref<!tpu.dma_semaphore, #tpu.memory_space<semaphore_mem>>)
      %mul3A_121 = arith.constant 1600 : i32
      %mul3A_122 = arith.muli %add3A_69, %mul3A_121 : i32
      %add3A_123 = arith.constant 400 : i32
      %add3A_124 = arith.addi %mul3A_122, %add3A_123 : i32
      %multiple_of3A_125 = tpu.assume_multiple %add3A_124, 8 : i32
      %dma_start3A_126 = tpu.memref_slice %arg5[%multiple_of3A_125] : memref<25600xi32, #tpu.memory_space<vmem>> -> memref<400xi32, #tpu.memory_space<vmem>>
      %dma_start3A_127 = arith.constant 0 : i32
      %dma_start3A_128 = arith.constant 0 : i32
      %dma_start3A_129 = tpu.memref_slice %arg3[%dma_start3A_127, %dma_start3A_128] : memref<1000000x32xf32, #tpu.memory_space<hbm>> -> memref<1000000x32xf32, #tpu.memory_space<hbm>>
      tpu.enqueue_indirect_dma source(%dma_start3A_129 : memref<1000000x32xf32, #tpu.memory_space<hbm>>) target(%arg11 : memref<400x32xf32, #tpu.memory_space<vmem>>) offsets(%dma_start3A_126 : memref<400xi32, #tpu.memory_space<vmem>>) semaphore(%arg15 : memref<!tpu.dma_semaphore, #tpu.memory_space<semaphore_mem>>)
      %mul3A_130 = arith.constant 1600 : i32
      %mul3A_131 = arith.muli %add3A_69, %mul3A_130 : i32
      %add3A_132 = arith.constant 800 : i32
      %add3A_133 = arith.addi %mul3A_131, %add3A_132 : i32
      %multiple_of3A_134 = tpu.assume_multiple %add3A_133, 8 : i32
      %dma_start3A_135 = tpu.memref_slice %arg5[%multiple_of3A_134] : memref<25600xi32, #tpu.memory_space<vmem>> -> memref<400xi32, #tpu.memory_space<vmem>>
      %dma_start3A_136 = arith.constant 0 : i32
      %dma_start3A_137 = arith.constant 0 : i32
      %dma_start3A_138 = tpu.memref_slice %arg3[%dma_start3A_136, %dma_start3A_137] : memref<1000000x32xf32, #tpu.memory_space<hbm>> -> memref<1000000x32xf32, #tpu.memory_space<hbm>>
      tpu.enqueue_indirect_dma source(%dma_start3A_138 : memref<1000000x32xf32, #tpu.memory_space<hbm>>) target(%arg12 : memref<400x32xf32, #tpu.memory_space<vmem>>) offsets(%dma_start3A_135 : memref<400xi32, #tpu.memory_space<vmem>>) semaphore(%arg15 : memref<!tpu.dma_semaphore, #tpu.memory_space<semaphore_mem>>)
      %mul3A_139 = arith.constant 1600 : i32
      %mul3A_140 = arith.muli %add3A_69, %mul3A_139 : i32
      %add3A_141 = arith.constant 1200 : i32
      %add3A_142 = arith.addi %mul3A_140, %add3A_141 : i32
      %multiple_of3A_143 = tpu.assume_multiple %add3A_142, 8 : i32
      %dma_start3A_144 = tpu.memref_slice %arg5[%multiple_of3A_143] : memref<25600xi32, #tpu.memory_space<vmem>> -> memref<400xi32, #tpu.memory_space<vmem>>
      %dma_start3A_145 = arith.constant 0 : i32
      %dma_start3A_146 = arith.constant 0 : i32
      %dma_start3A_147 = tpu.memref_slice %arg3[%dma_start3A_145, %dma_start3A_146] : memref<1000000x32xf32, #tpu.memory_space<hbm>> -> memref<1000000x32xf32, #tpu.memory_space<hbm>>
      tpu.enqueue_indirect_dma source(%dma_start3A_147 : memref<1000000x32xf32, #tpu.memory_space<hbm>>) target(%arg13 : memref<400x32xf32, #tpu.memory_space<vmem>>) offsets(%dma_start3A_144 : memref<400xi32, #tpu.memory_space<vmem>>) semaphore(%arg15 : memref<!tpu.dma_semaphore, #tpu.memory_space<semaphore_mem>>)
      %mul3A_148 = arith.constant 1600 : i32
      %mul3A_149 = arith.muli %mul3A_65, %mul3A_148 : i32
      %add3A_150 = arith.constant 0 : i32
      %add3A_151 = arith.addi %mul3A_149, %add3A_150 : i32
      %multiple_of3A_152 = tpu.assume_multiple %add3A_151, 8 : i32
      %dma_wait3A_153 = tpu.memref_slice %arg5[%multiple_of3A_152] : memref<25600xi32, #tpu.memory_space<vmem>> -> memref<400xi32, #tpu.memory_space<vmem>>
      %dma_wait3A_154 = arith.constant 0 : i32
      %dma_wait3A_155 = arith.constant 0 : i32
      %dma_wait3A_156 = tpu.memref_slice %arg3[%dma_wait3A_154, %dma_wait3A_155] : memref<1000000x32xf32, #tpu.memory_space<hbm>> -> memref<1000000x32xf32, #tpu.memory_space<hbm>>
      tpu.wait_indirect_dma semaphore(%arg14 : memref<!tpu.dma_semaphore, #tpu.memory_space<semaphore_mem>>) src(%dma_wait3A_156 : memref<1000000x32xf32, #tpu.memory_space<hbm>>) dst(%arg6 : memref<400x32xf32, #tpu.memory_space<vmem>>)
      %mul3A_157 = arith.constant 1600 : i32
      %mul3A_158 = arith.muli %mul3A_65, %mul3A_157 : i32
      %add3A_159 = arith.constant 400 : i32
      %add3A_160 = arith.addi %mul3A_158, %add3A_159 : i32
      %multiple_of3A_161 = tpu.assume_multiple %add3A_160, 8 : i32
      %dma_wait3A_162 = tpu.memref_slice %arg5[%multiple_of3A_161] : memref<25600xi32, #tpu.memory_space<vmem>> -> memref<400xi32, #tpu.memory_space<vmem>>
      %dma_wait3A_163 = arith.constant 0 : i32
      %dma_wait3A_164 = arith.constant 0 : i32
      %dma_wait3A_165 = tpu.memref_slice %arg3[%dma_wait3A_163, %dma_wait3A_164] : memref<1000000x32xf32, #tpu.memory_space<hbm>> -> memref<1000000x32xf32, #tpu.memory_space<hbm>>
      tpu.wait_indirect_dma semaphore(%arg14 : memref<!tpu.dma_semaphore, #tpu.memory_space<semaphore_mem>>) src(%dma_wait3A_165 : memref<1000000x32xf32, #tpu.memory_space<hbm>>) dst(%arg7 : memref<400x32xf32, #tpu.memory_space<vmem>>)
      %mul3A_166 = arith.constant 1600 : i32
      %mul3A_167 = arith.muli %mul3A_65, %mul3A_166 : i32
      %add3A_168 = arith.constant 800 : i32
      %add3A_169 = arith.addi %mul3A_167, %add3A_168 : i32
      %multiple_of3A_170 = tpu.assume_multiple %add3A_169, 8 : i32
      %dma_wait3A_171 = tpu.memref_slice %arg5[%multiple_of3A_170] : memref<25600xi32, #tpu.memory_space<vmem>> -> memref<400xi32, #tpu.memory_space<vmem>>
      %dma_wait3A_172 = arith.constant 0 : i32
      %dma_wait3A_173 = arith.constant 0 : i32
      %dma_wait3A_174 = tpu.memref_slice %arg3[%dma_wait3A_172, %dma_wait3A_173] : memref<1000000x32xf32, #tpu.memory_space<hbm>> -> memref<1000000x32xf32, #tpu.memory_space<hbm>>
      tpu.wait_indirect_dma semaphore(%arg14 : memref<!tpu.dma_semaphore, #tpu.memory_space<semaphore_mem>>) src(%dma_wait3A_174 : memref<1000000x32xf32, #tpu.memory_space<hbm>>) dst(%arg8 : memref<400x32xf32, #tpu.memory_space<vmem>>)
      %mul3A_175 = arith.constant 1600 : i32
      %mul3A_176 = arith.muli %mul3A_65, %mul3A_175 : i32
      %add3A_177 = arith.constant 1200 : i32
      %add3A_178 = arith.addi %mul3A_176, %add3A_177 : i32
      %multiple_of3A_179 = tpu.assume_multiple %add3A_178, 8 : i32
      %dma_wait3A_180 = tpu.memref_slice %arg5[%multiple_of3A_179] : memref<25600xi32, #tpu.memory_space<vmem>> -> memref<400xi32, #tpu.memory_space<vmem>>
      %dma_wait3A_181 = arith.constant 0 : i32
      %dma_wait3A_182 = arith.constant 0 : i32
      %dma_wait3A_183 = tpu.memref_slice %arg3[%dma_wait3A_181, %dma_wait3A_182] : memref<1000000x32xf32, #tpu.memory_space<hbm>> -> memref<1000000x32xf32, #tpu.memory_space<hbm>>
      tpu.wait_indirect_dma semaphore(%arg14 : memref<!tpu.dma_semaphore, #tpu.memory_space<semaphore_mem>>) src(%dma_wait3A_183 : memref<1000000x32xf32, #tpu.memory_space<hbm>>) dst(%arg9 : memref<400x32xf32, #tpu.memory_space<vmem>>)
      %mul3A_184 = arith.constant 1600 : i32
      %mul3A_185 = arith.muli %mul3A_65, %mul3A_184 : i32
      %add3A_186 = arith.constant 0 : i32
      %add3A_187 = arith.addi %mul3A_185, %add3A_186 : i32
      %multiple_of3A_188 = tpu.assume_multiple %add3A_187, 8 : i32
      %add3A_189 = arith.addi %multiple_of3A, %multiple_of3A_188 : i32
      %dma_start3A_190 = arith.constant 0 : i32
      %dma_start3A_191 = tpu.memref_slice %arg4[%add3A_189, %dma_start3A_190] : memref<819200x32xf32, #tpu.memory_space<hbm>> -> memref<400x32xf32, #tpu.memory_space<hbm>>
      %dma_start3A_192 = arith.constant 0 : i32
      %dma_start3A_193 = tpu.memref_slice %arg4[%add3A_189, %dma_start3A_192] : memref<819200x32xf32, #tpu.memory_space<hbm>> -> memref<400x32xf32, #tpu.memory_space<hbm>>
      tpu.enqueue_dma source(%arg6 : memref<400x32xf32, #tpu.memory_space<vmem>>) target(%dma_start3A_193 : memref<400x32xf32, #tpu.memory_space<hbm>>) target_semaphore(%arg16 : memref<!tpu.dma_semaphore, #tpu.memory_space<semaphore_mem>>)
      %mul3A_194 = arith.constant 1600 : i32
      %mul3A_195 = arith.muli %mul3A_65, %mul3A_194 : i32
      %add3A_196 = arith.constant 400 : i32
      %add3A_197 = arith.addi %mul3A_195, %add3A_196 : i32
      %multiple_of3A_198 = tpu.assume_multiple %add3A_197, 8 : i32
      %add3A_199 = arith.addi %multiple_of3A, %multiple_of3A_198 : i32
      %dma_start3A_200 = arith.constant 0 : i32
      %dma_start3A_201 = tpu.memref_slice %arg4[%add3A_199, %dma_start3A_200] : memref<819200x32xf32, #tpu.memory_space<hbm>> -> memref<400x32xf32, #tpu.memory_space<hbm>>
      %dma_start3A_202 = arith.constant 0 : i32
      %dma_start3A_203 = tpu.memref_slice %arg4[%add3A_199, %dma_start3A_202] : memref<819200x32xf32, #tpu.memory_space<hbm>> -> memref<400x32xf32, #tpu.memory_space<hbm>>
      tpu.enqueue_dma source(%arg7 : memref<400x32xf32, #tpu.memory_space<vmem>>) target(%dma_start3A_203 : memref<400x32xf32, #tpu.memory_space<hbm>>) target_semaphore(%arg16 : memref<!tpu.dma_semaphore, #tpu.memory_space<semaphore_mem>>)
      %mul3A_204 = arith.constant 1600 : i32
      %mul3A_205 = arith.muli %mul3A_65, %mul3A_204 : i32
      %add3A_206 = arith.constant 800 : i32
      %add3A_207 = arith.addi %mul3A_205, %add3A_206 : i32
      %multiple_of3A_208 = tpu.assume_multiple %add3A_207, 8 : i32
      %add3A_209 = arith.addi %multiple_of3A, %multiple_of3A_208 : i32
      %dma_start3A_210 = arith.constant 0 : i32
      %dma_start3A_211 = tpu.memref_slice %arg4[%add3A_209, %dma_start3A_210] : memref<819200x32xf32, #tpu.memory_space<hbm>> -> memref<400x32xf32, #tpu.memory_space<hbm>>
      %dma_start3A_212 = arith.constant 0 : i32
      %dma_start3A_213 = tpu.memref_slice %arg4[%add3A_209, %dma_start3A_212] : memref<819200x32xf32, #tpu.memory_space<hbm>> -> memref<400x32xf32, #tpu.memory_space<hbm>>
      tpu.enqueue_dma source(%arg8 : memref<400x32xf32, #tpu.memory_space<vmem>>) target(%dma_start3A_213 : memref<400x32xf32, #tpu.memory_space<hbm>>) target_semaphore(%arg16 : memref<!tpu.dma_semaphore, #tpu.memory_space<semaphore_mem>>)
      %mul3A_214 = arith.constant 1600 : i32
      %mul3A_215 = arith.muli %mul3A_65, %mul3A_214 : i32
      %add3A_216 = arith.constant 1200 : i32
      %add3A_217 = arith.addi %mul3A_215, %add3A_216 : i32
      %multiple_of3A_218 = tpu.assume_multiple %add3A_217, 8 : i32
      %add3A_219 = arith.addi %multiple_of3A, %multiple_of3A_218 : i32
      %dma_start3A_220 = arith.constant 0 : i32
      %dma_start3A_221 = tpu.memref_slice %arg4[%add3A_219, %dma_start3A_220] : memref<819200x32xf32, #tpu.memory_space<hbm>> -> memref<400x32xf32, #tpu.memory_space<hbm>>
      %dma_start3A_222 = arith.constant 0 : i32
      %dma_start3A_223 = tpu.memref_slice %arg4[%add3A_219, %dma_start3A_222] : memref<819200x32xf32, #tpu.memory_space<hbm>> -> memref<400x32xf32, #tpu.memory_space<hbm>>
      tpu.enqueue_dma source(%arg9 : memref<400x32xf32, #tpu.memory_space<vmem>>) target(%dma_start3A_223 : memref<400x32xf32, #tpu.memory_space<hbm>>) target_semaphore(%arg16 : memref<!tpu.dma_semaphore, #tpu.memory_space<semaphore_mem>>)
      %mul3A_224 = arith.constant 1600 : i32
      %mul3A_225 = arith.muli %add3A_69, %mul3A_224 : i32
      %add3A_226 = arith.constant 0 : i32
      %add3A_227 = arith.addi %mul3A_225, %add3A_226 : i32
      %multiple_of3A_228 = tpu.assume_multiple %add3A_227, 8 : i32
      %dma_wait3A_229 = tpu.memref_slice %arg5[%multiple_of3A_228] : memref<25600xi32, #tpu.memory_space<vmem>> -> memref<400xi32, #tpu.memory_space<vmem>>
      %dma_wait3A_230 = arith.constant 0 : i32
      %dma_wait3A_231 = arith.constant 0 : i32
      %dma_wait3A_232 = tpu.memref_slice %arg3[%dma_wait3A_230, %dma_wait3A_231] : memref<1000000x32xf32, #tpu.memory_space<hbm>> -> memref<1000000x32xf32, #tpu.memory_space<hbm>>
      tpu.wait_indirect_dma semaphore(%arg15 : memref<!tpu.dma_semaphore, #tpu.memory_space<semaphore_mem>>) src(%dma_wait3A_232 : memref<1000000x32xf32, #tpu.memory_space<hbm>>) dst(%arg10 : memref<400x32xf32, #tpu.memory_space<vmem>>)
      %mul3A_233 = arith.constant 1600 : i32
      %mul3A_234 = arith.muli %add3A_69, %mul3A_233 : i32
      %add3A_235 = arith.constant 400 : i32
      %add3A_236 = arith.addi %mul3A_234, %add3A_235 : i32
      %multiple_of3A_237 = tpu.assume_multiple %add3A_236, 8 : i32
      %dma_wait3A_238 = tpu.memref_slice %arg5[%multiple_of3A_237] : memref<25600xi32, #tpu.memory_space<vmem>> -> memref<400xi32, #tpu.memory_space<vmem>>
      %dma_wait3A_239 = arith.constant 0 : i32
      %dma_wait3A_240 = arith.constant 0 : i32
      %dma_wait3A_241 = tpu.memref_slice %arg3[%dma_wait3A_239, %dma_wait3A_240] : memref<1000000x32xf32, #tpu.memory_space<hbm>> -> memref<1000000x32xf32, #tpu.memory_space<hbm>>
      tpu.wait_indirect_dma semaphore(%arg15 : memref<!tpu.dma_semaphore, #tpu.memory_space<semaphore_mem>>) src(%dma_wait3A_241 : memref<1000000x32xf32, #tpu.memory_space<hbm>>) dst(%arg11 : memref<400x32xf32, #tpu.memory_space<vmem>>)
      %mul3A_242 = arith.constant 1600 : i32
      %mul3A_243 = arith.muli %add3A_69, %mul3A_242 : i32
      %add3A_244 = arith.constant 800 : i32
      %add3A_245 = arith.addi %mul3A_243, %add3A_244 : i32
      %multiple_of3A_246 = tpu.assume_multiple %add3A_245, 8 : i32
      %dma_wait3A_247 = tpu.memref_slice %arg5[%multiple_of3A_246] : memref<25600xi32, #tpu.memory_space<vmem>> -> memref<400xi32, #tpu.memory_space<vmem>>
      %dma_wait3A_248 = arith.constant 0 : i32
      %dma_wait3A_249 = arith.constant 0 : i32
      %dma_wait3A_250 = tpu.memref_slice %arg3[%dma_wait3A_248, %dma_wait3A_249] : memref<1000000x32xf32, #tpu.memory_space<hbm>> -> memref<1000000x32xf32, #tpu.memory_space<hbm>>
      tpu.wait_indirect_dma semaphore(%arg15 : memref<!tpu.dma_semaphore, #tpu.memory_space<semaphore_mem>>) src(%dma_wait3A_250 : memref<1000000x32xf32, #tpu.memory_space<hbm>>) dst(%arg12 : memref<400x32xf32, #tpu.memory_space<vmem>>)
      %mul3A_251 = arith.constant 1600 : i32
      %mul3A_252 = arith.muli %add3A_69, %mul3A_251 : i32
      %add3A_253 = arith.constant 1200 : i32
      %add3A_254 = arith.addi %mul3A_252, %add3A_253 : i32
      %multiple_of3A_255 = tpu.assume_multiple %add3A_254, 8 : i32
      %dma_wait3A_256 = tpu.memref_slice %arg5[%multiple_of3A_255] : memref<25600xi32, #tpu.memory_space<vmem>> -> memref<400xi32, #tpu.memory_space<vmem>>
      %dma_wait3A_257 = arith.constant 0 : i32
      %dma_wait3A_258 = arith.constant 0 : i32
      %dma_wait3A_259 = tpu.memref_slice %arg3[%dma_wait3A_257, %dma_wait3A_258] : memref<1000000x32xf32, #tpu.memory_space<hbm>> -> memref<1000000x32xf32, #tpu.memory_space<hbm>>
      tpu.wait_indirect_dma semaphore(%arg15 : memref<!tpu.dma_semaphore, #tpu.memory_space<semaphore_mem>>) src(%dma_wait3A_259 : memref<1000000x32xf32, #tpu.memory_space<hbm>>) dst(%arg13 : memref<400x32xf32, #tpu.memory_space<vmem>>)
      %mul3A_260 = arith.constant 1600 : i32
      %mul3A_261 = arith.muli %add3A_69, %mul3A_260 : i32
      %add3A_262 = arith.constant 0 : i32
      %add3A_263 = arith.addi %mul3A_261, %add3A_262 : i32
      %multiple_of3A_264 = tpu.assume_multiple %add3A_263, 8 : i32
      %add3A_265 = arith.addi %multiple_of3A, %multiple_of3A_264 : i32
      %dma_start3A_266 = arith.constant 0 : i32
      %dma_start3A_267 = tpu.memref_slice %arg4[%add3A_265, %dma_start3A_266] : memref<819200x32xf32, #tpu.memory_space<hbm>> -> memref<400x32xf32, #tpu.memory_space<hbm>>
      %dma_start3A_268 = arith.constant 0 : i32
      %dma_start3A_269 = tpu.memref_slice %arg4[%add3A_265, %dma_start3A_268] : memref<819200x32xf32, #tpu.memory_space<hbm>> -> memref<400x32xf32, #tpu.memory_space<hbm>>
      tpu.enqueue_dma source(%arg10 : memref<400x32xf32, #tpu.memory_space<vmem>>) target(%dma_start3A_269 : memref<400x32xf32, #tpu.memory_space<hbm>>) target_semaphore(%arg17 : memref<!tpu.dma_semaphore, #tpu.memory_space<semaphore_mem>>)
      %mul3A_270 = arith.constant 1600 : i32
      %mul3A_271 = arith.muli %add3A_69, %mul3A_270 : i32
      %add3A_272 = arith.constant 400 : i32
      %add3A_273 = arith.addi %mul3A_271, %add3A_272 : i32
      %multiple_of3A_274 = tpu.assume_multiple %add3A_273, 8 : i32
      %add3A_275 = arith.addi %multiple_of3A, %multiple_of3A_274 : i32
      %dma_start3A_276 = arith.constant 0 : i32
      %dma_start3A_277 = tpu.memref_slice %arg4[%add3A_275, %dma_start3A_276] : memref<819200x32xf32, #tpu.memory_space<hbm>> -> memref<400x32xf32, #tpu.memory_space<hbm>>
      %dma_start3A_278 = arith.constant 0 : i32
      %dma_start3A_279 = tpu.memref_slice %arg4[%add3A_275, %dma_start3A_278] : memref<819200x32xf32, #tpu.memory_space<hbm>> -> memref<400x32xf32, #tpu.memory_space<hbm>>
      tpu.enqueue_dma source(%arg11 : memref<400x32xf32, #tpu.memory_space<vmem>>) target(%dma_start3A_279 : memref<400x32xf32, #tpu.memory_space<hbm>>) target_semaphore(%arg17 : memref<!tpu.dma_semaphore, #tpu.memory_space<semaphore_mem>>)
      %mul3A_280 = arith.constant 1600 : i32
      %mul3A_281 = arith.muli %add3A_69, %mul3A_280 : i32
      %add3A_282 = arith.constant 800 : i32
      %add3A_283 = arith.addi %mul3A_281, %add3A_282 : i32
      %multiple_of3A_284 = tpu.assume_multiple %add3A_283, 8 : i32
      %add3A_285 = arith.addi %multiple_of3A, %multiple_of3A_284 : i32
      %dma_start3A_286 = arith.constant 0 : i32
      %dma_start3A_287 = tpu.memref_slice %arg4[%add3A_285, %dma_start3A_286] : memref<819200x32xf32, #tpu.memory_space<hbm>> -> memref<400x32xf32, #tpu.memory_space<hbm>>
      %dma_start3A_288 = arith.constant 0 : i32
      %dma_start3A_289 = tpu.memref_slice %arg4[%add3A_285, %dma_start3A_288] : memref<819200x32xf32, #tpu.memory_space<hbm>> -> memref<400x32xf32, #tpu.memory_space<hbm>>
      tpu.enqueue_dma source(%arg12 : memref<400x32xf32, #tpu.memory_space<vmem>>) target(%dma_start3A_289 : memref<400x32xf32, #tpu.memory_space<hbm>>) target_semaphore(%arg17 : memref<!tpu.dma_semaphore, #tpu.memory_space<semaphore_mem>>)
      %mul3A_290 = arith.constant 1600 : i32
      %mul3A_291 = arith.muli %add3A_69, %mul3A_290 : i32
      %add3A_292 = arith.constant 1200 : i32
      %add3A_293 = arith.addi %mul3A_291, %add3A_292 : i32
      %multiple_of3A_294 = tpu.assume_multiple %add3A_293, 8 : i32
      %add3A_295 = arith.addi %multiple_of3A, %multiple_of3A_294 : i32
      %dma_start3A_296 = arith.constant 0 : i32
      %dma_start3A_297 = tpu.memref_slice %arg4[%add3A_295, %dma_start3A_296] : memref<819200x32xf32, #tpu.memory_space<hbm>> -> memref<400x32xf32, #tpu.memory_space<hbm>>
      %dma_start3A_298 = arith.constant 0 : i32
      %dma_start3A_299 = tpu.memref_slice %arg4[%add3A_295, %dma_start3A_298] : memref<819200x32xf32, #tpu.memory_space<hbm>> -> memref<400x32xf32, #tpu.memory_space<hbm>>
      tpu.enqueue_dma source(%arg13 : memref<400x32xf32, #tpu.memory_space<vmem>>) target(%dma_start3A_299 : memref<400x32xf32, #tpu.memory_space<hbm>>) target_semaphore(%arg17 : memref<!tpu.dma_semaphore, #tpu.memory_space<semaphore_mem>>)
    }
    %scan3A_7 = arith.constant 8 : i32
    %multiple_of3A_8 = arith.constant 0 : i32
    %multiple_of3A_9 = tpu.assume_multiple %multiple_of3A_8, 8 : i32
    %add3A_10 = arith.addi %multiple_of3A, %multiple_of3A_9 : i32
    %dma_wait3A = arith.constant 0 : i32
    %dma_wait3A_11 = tpu.memref_slice %arg4[%add3A_10, %dma_wait3A] : memref<819200x32xf32, #tpu.memory_space<hbm>> -> memref<400x32xf32, #tpu.memory_space<hbm>>
    %dma_wait3A_12 = arith.constant 0 : i32
    %dma_wait3A_13 = tpu.memref_slice %arg4[%add3A_10, %dma_wait3A_12] : memref<819200x32xf32, #tpu.memory_space<hbm>> -> memref<400x32xf32, #tpu.memory_space<hbm>>
    tpu.wait_dma2 semaphore(%arg16 : memref<!tpu.dma_semaphore, #tpu.memory_space<semaphore_mem>>) src(%arg6 : memref<400x32xf32, #tpu.memory_space<vmem>>) dst(%dma_wait3A_13 : memref<400x32xf32, #tpu.memory_space<hbm>>)
    %multiple_of3A_14 = arith.constant 400 : i32
    %multiple_of3A_15 = tpu.assume_multiple %multiple_of3A_14, 8 : i32
    %add3A_16 = arith.addi %multiple_of3A, %multiple_of3A_15 : i32
    %dma_wait3A_17 = arith.constant 0 : i32
    %dma_wait3A_18 = tpu.memref_slice %arg4[%add3A_16, %dma_wait3A_17] : memref<819200x32xf32, #tpu.memory_space<hbm>> -> memref<400x32xf32, #tpu.memory_space<hbm>>
    %dma_wait3A_19 = arith.constant 0 : i32
    %dma_wait3A_20 = tpu.memref_slice %arg4[%add3A_16, %dma_wait3A_19] : memref<819200x32xf32, #tpu.memory_space<hbm>> -> memref<400x32xf32, #tpu.memory_space<hbm>>
    tpu.wait_dma2 semaphore(%arg16 : memref<!tpu.dma_semaphore, #tpu.memory_space<semaphore_mem>>) src(%arg7 : memref<400x32xf32, #tpu.memory_space<vmem>>) dst(%dma_wait3A_20 : memref<400x32xf32, #tpu.memory_space<hbm>>)
    %multiple_of3A_21 = arith.constant 800 : i32
    %multiple_of3A_22 = tpu.assume_multiple %multiple_of3A_21, 8 : i32
    %add3A_23 = arith.addi %multiple_of3A, %multiple_of3A_22 : i32
    %dma_wait3A_24 = arith.constant 0 : i32
    %dma_wait3A_25 = tpu.memref_slice %arg4[%add3A_23, %dma_wait3A_24] : memref<819200x32xf32, #tpu.memory_space<hbm>> -> memref<400x32xf32, #tpu.memory_space<hbm>>
    %dma_wait3A_26 = arith.constant 0 : i32
    %dma_wait3A_27 = tpu.memref_slice %arg4[%add3A_23, %dma_wait3A_26] : memref<819200x32xf32, #tpu.memory_space<hbm>> -> memref<400x32xf32, #tpu.memory_space<hbm>>
    tpu.wait_dma2 semaphore(%arg16 : memref<!tpu.dma_semaphore, #tpu.memory_space<semaphore_mem>>) src(%arg8 : memref<400x32xf32, #tpu.memory_space<vmem>>) dst(%dma_wait3A_27 : memref<400x32xf32, #tpu.memory_space<hbm>>)
    %multiple_of3A_28 = arith.constant 1200 : i32
    %multiple_of3A_29 = tpu.assume_multiple %multiple_of3A_28, 8 : i32
    %add3A_30 = arith.addi %multiple_of3A, %multiple_of3A_29 : i32
    %dma_wait3A_31 = arith.constant 0 : i32
    %dma_wait3A_32 = tpu.memref_slice %arg4[%add3A_30, %dma_wait3A_31] : memref<819200x32xf32, #tpu.memory_space<hbm>> -> memref<400x32xf32, #tpu.memory_space<hbm>>
    %dma_wait3A_33 = arith.constant 0 : i32
    %dma_wait3A_34 = tpu.memref_slice %arg4[%add3A_30, %dma_wait3A_33] : memref<819200x32xf32, #tpu.memory_space<hbm>> -> memref<400x32xf32, #tpu.memory_space<hbm>>
    tpu.wait_dma2 semaphore(%arg16 : memref<!tpu.dma_semaphore, #tpu.memory_space<semaphore_mem>>) src(%arg9 : memref<400x32xf32, #tpu.memory_space<vmem>>) dst(%dma_wait3A_34 : memref<400x32xf32, #tpu.memory_space<hbm>>)
    %multiple_of3A_35 = arith.constant 0 : i32
    %multiple_of3A_36 = tpu.assume_multiple %multiple_of3A_35, 8 : i32
    %add3A_37 = arith.addi %multiple_of3A, %multiple_of3A_36 : i32
    %dma_wait3A_38 = arith.constant 0 : i32
    %dma_wait3A_39 = tpu.memref_slice %arg4[%add3A_37, %dma_wait3A_38] : memref<819200x32xf32, #tpu.memory_space<hbm>> -> memref<400x32xf32, #tpu.memory_space<hbm>>
    %dma_wait3A_40 = arith.constant 0 : i32
    %dma_wait3A_41 = tpu.memref_slice %arg4[%add3A_37, %dma_wait3A_40] : memref<819200x32xf32, #tpu.memory_space<hbm>> -> memref<400x32xf32, #tpu.memory_space<hbm>>
    tpu.wait_dma2 semaphore(%arg17 : memref<!tpu.dma_semaphore, #tpu.memory_space<semaphore_mem>>) src(%arg10 : memref<400x32xf32, #tpu.memory_space<vmem>>) dst(%dma_wait3A_41 : memref<400x32xf32, #tpu.memory_space<hbm>>)
    %multiple_of3A_42 = arith.constant 400 : i32
    %multiple_of3A_43 = tpu.assume_multiple %multiple_of3A_42, 8 : i32
    %add3A_44 = arith.addi %multiple_of3A, %multiple_of3A_43 : i32
    %dma_wait3A_45 = arith.constant 0 : i32
    %dma_wait3A_46 = tpu.memref_slice %arg4[%add3A_44, %dma_wait3A_45] : memref<819200x32xf32, #tpu.memory_space<hbm>> -> memref<400x32xf32, #tpu.memory_space<hbm>>
    %dma_wait3A_47 = arith.constant 0 : i32
    %dma_wait3A_48 = tpu.memref_slice %arg4[%add3A_44, %dma_wait3A_47] : memref<819200x32xf32, #tpu.memory_space<hbm>> -> memref<400x32xf32, #tpu.memory_space<hbm>>
    tpu.wait_dma2 semaphore(%arg17 : memref<!tpu.dma_semaphore, #tpu.memory_space<semaphore_mem>>) src(%arg11 : memref<400x32xf32, #tpu.memory_space<vmem>>) dst(%dma_wait3A_48 : memref<400x32xf32, #tpu.memory_space<hbm>>)
    %multiple_of3A_49 = arith.constant 800 : i32
    %multiple_of3A_50 = tpu.assume_multiple %multiple_of3A_49, 8 : i32
    %add3A_51 = arith.addi %multiple_of3A, %multiple_of3A_50 : i32
    %dma_wait3A_52 = arith.constant 0 : i32
    %dma_wait3A_53 = tpu.memref_slice %arg4[%add3A_51, %dma_wait3A_52] : memref<819200x32xf32, #tpu.memory_space<hbm>> -> memref<400x32xf32, #tpu.memory_space<hbm>>
    %dma_wait3A_54 = arith.constant 0 : i32
    %dma_wait3A_55 = tpu.memref_slice %arg4[%add3A_51, %dma_wait3A_54] : memref<819200x32xf32, #tpu.memory_space<hbm>> -> memref<400x32xf32, #tpu.memory_space<hbm>>
    tpu.wait_dma2 semaphore(%arg17 : memref<!tpu.dma_semaphore, #tpu.memory_space<semaphore_mem>>) src(%arg12 : memref<400x32xf32, #tpu.memory_space<vmem>>) dst(%dma_wait3A_55 : memref<400x32xf32, #tpu.memory_space<hbm>>)
    %multiple_of3A_56 = arith.constant 1200 : i32
    %multiple_of3A_57 = tpu.assume_multiple %multiple_of3A_56, 8 : i32
    %add3A_58 = arith.addi %multiple_of3A, %multiple_of3A_57 : i32
    %dma_wait3A_59 = arith.constant 0 : i32
    %dma_wait3A_60 = tpu.memref_slice %arg4[%add3A_58, %dma_wait3A_59] : memref<819200x32xf32, #tpu.memory_space<hbm>> -> memref<400x32xf32, #tpu.memory_space<hbm>>
    %dma_wait3A_61 = arith.constant 0 : i32
    %dma_wait3A_62 = tpu.memref_slice %arg4[%add3A_58, %dma_wait3A_61] : memref<819200x32xf32, #tpu.memory_space<hbm>> -> memref<400x32xf32, #tpu.memory_space<hbm>>
    tpu.wait_dma2 semaphore(%arg17 : memref<!tpu.dma_semaphore, #tpu.memory_space<semaphore_mem>>) src(%arg13 : memref<400x32xf32, #tpu.memory_space<vmem>>) dst(%dma_wait3A_62 : memref<400x32xf32, #tpu.memory_space<hbm>>)
    return
  }
}

</mosaic_0001>

<sc_bundles>
// kernel: kernel.3.cloned.1.call-start
scs
__scs_entry_jumppad:
0x0: {  	(pc) =	sbr.rel $0x88, $3  }
0x1: {  	(tag) =	ssettag $0x0;
	lr =	simm.s32 $0x1  }
0x2: {  	[smem:$0x3F9F] =	sst lr;
	_ =	strace $0xD0000000  }
0x3: {  	_ = 	snop  }
0x4: {  	_ = 	snop  }
0x5: {  	_ = 	snop  }
0x6: {  	_ = 	snop  }
0x7: {  	_ = 	snop  }
__scs_overlays_trampoline_lowered:
0x8: {  	[smem:$0x3FAE] =	sst s0  }
0x9: {  	[smem:$0x3FAF] =	sst s1  }
0xa: {  	[smem:$0x3FB0] =	sst s2  }
0xb: {  	[smem:$0x3FB1] =	sst s3  }
0xc: {  	[smem:$0x3FB2] =	sst s4  }
0xd: {  	[smem:$0x3FB3] =	sst s5  }
0xe: {  	[smem:$0x3FB4] =	sst s6  }
0xf: {  	[smem:$0x3FB5] =	sst s7  }
0x10: {  	[smem:$0x3FB6] =	sst s8  }
0x11: {  	[smem:$0x3FB7] =	sst s9;
	s0 =	simm.s32 @!p0 $0x0  }
0x12: {  	s1 =	sld [smem:$0x3F9D];
	s0 =	simm.s32 @p0 $0x1  }
0x13: {  	[smem:$0x3FB8] =	sst s0;
	s0 =	simm.s32 @!p1 $0x0  }
0x14: {  	s2 =	sld [smem:$0x3F9C];
	s0 =	simm.s32 @p1 $0x1  }
0x15: {  	[smem:$0x3FB9] =	sst s0;
	s0 =	simm.s32 @!p2 $0x0  }
0x16: {  	s3 =	sld [smem:$0x3FDB];
	s0 =	simm.s32 @p2 $0x1  }
0x17: {  	s4 =	simm.s32 $0x1BF5;
	[smem:$0x3FBB] =	sst s0  }
0x18: {  	s0 =	sld [smem:$0x3F9E];
	_ =	swait.ge [sflag:s4], $0x0  }
0x19: {  	s7 =	sld [smem:$0x3F9F]  }
0x1a: {  	s8 =	sadd.s32 $0xFFFFE003, lr  }
0x1b: {  	s9 =	sadd.s32 $0xFFFFFEF7, lr;
	s5 =	simm.s32 $0xFFFFFFFF;
	p2 =	slt.u32 s8, $0xFFFFF086  }
0x1c: {  	p1 =	slt.u32 s9, $0xF7A;
	s5 =	simm.s32 @!p2 $0x0  }
0x1d: {  	s5 =	simm.s32 @p1 $0x1;
	p0 =	seq.s32 s7, s2  }
0x1e: {  	s7 =	smul.u32 @!p0 $0xF7A, s2;
	p2 =	seq.s32 @!p0 s5, $0x0  }
0x1f: {  	s9 =	smul.u32 $0xF7A, s1;
	s8 =	simm.s32 @!p0 $0x1BF5;
	p2 =	por !p2, p0  }
0x20: {  	[sflag:s8] =	ssyncset.s32 @!p0 $0xFFFFF086;
	s6 =	sadd.s32 @!p0 s3, s7;
	s7 =	simm.s32 @!p0 $0x108  }
0x21: {  	s3 =	sadd.s32 s3, s9;
	s6 =	sadd.s32 @!p0 $0x88, s6;
	s7 =	simm.s32 @p2 $0x1082  }
0x22: {  	[simem:s7], [sflag:s8] =	dma.local @!p0 [hbm:s6], $0xF7A  }
0x23: {  	s9 =	sor.u32 $0xD0000000, s2;
	s6 =	simm.s32 $0x108;
	_ =	swait.ge @!p0 [sflag:s8], $0x0  }
0x24: {  	s3 =	sadd.s32 $0x88, s3;
	s6 =	simm.s32 @!p1 $0x1082;
	[sflag:s4] =	ssyncset.s32 $0xFFFFF086  }
0x25: {  	[simem:s6], [sflag:s4] =	dma.local [hbm:s3], $0xF7A  }
0x26: {  	[smem:$0x3F9F] =	sst s1;
	(tag) =	ssettag s2;
	_ =	strace s9  }
0x27: {  	s1 =	sld [smem:$0x3FAF]  }
0x28: {  	s2 =	sld [smem:$0x3FB0]  }
0x29: {  	s4 =	sld [smem:$0x3FB2]  }
0x2a: {  	p0 =	seq.s32 s5, $0x0;
	s5 =	sld [smem:$0x3FB3]  }
0x2b: {  	s6 =	sld [smem:$0x3FB4]  }
0x2c: {  	s7 =	sld [smem:$0x3FB5]  }
0x2d: {  	s3 =	simm.s32 $0x108;
	s8 =	sld [smem:$0x3FB6]  }
0x2e: {  	s3 =	simm.s32 @!p0 $0x1082;
	s9 =	sld [smem:$0x3FB7]  }
0x2f: {  	lr =	sadd.s32 s0, s3;
	s0 =	sld [smem:$0x3FAE]  }
0x30: {  	s3 =	sld [smem:$0x3FB1]  }
0x31: {  	[smem:$0x3FBA] =	sst s10  }
0x32: {  	s10 =	sld [smem:$0x3FB8];
	_ =	sdelay $0x3  }
0x33: {  	p0 =	seq.s32 s10, $0x1;
	s10 =	sld [smem:$0x3FBA];
	_ =	sdelay $0x3  }
0x34: {  	[smem:$0x3FBA] =	sst s10  }
0x35: {  	s10 =	sld [smem:$0x3FB9];
	_ =	sdelay $0x3  }
0x36: {  	p1 =	seq.s32 s10, $0x1;
	s10 =	sld [smem:$0x3FBA];
	_ =	sdelay $0x3  }
0x37: {  	[smem:$0x3FBA] =	sst s10  }
0x38: {  	s10 =	sld [smem:$0x3FBB]  }
0x39: {  	_ = 	snop;
	(pc) =	sbr.ind lr, $3  }
0x3a: {  	_ = 	snop  }
0x3b: {  	_ = 	snop  }
0x3c: {  	p2 =	seq.s32 s10, $0x1;
	s10 =	sld [smem:$0x3FBA]  }
0x3d: {  	_ =	shalt  }
0x3e: {  	_ =	shalt  }
0x3f: {  	_ =	shalt  }
0x40: {  	_ =	shalt  }
0x41: {  	_ =	shalt  }
0x42: {  	_ =	shalt  }
0x43: {  	_ =	shalt  }
0x44: {  	_ =	shalt  }
0x45: {  	_ =	shalt  }
0x46: {  	_ =	shalt  }
0x47: {  	_ =	shalt  }
0x48: {  	_ =	shalt  }
0x49: {  	_ =	shalt  }
0x4a: {  	_ =	shalt  }
0x4b: {  	_ =	shalt  }
0x4c: {  	_ =	shalt  }
0x4d: {  	_ =	shalt  }
0x4e: {  	_ =	shalt  }
0x4f: {  	_ =	shalt  }
0x50: {  	_ =	shalt  }
0x51: {  	_ =	shalt  }
0x52: {  	_ =	shalt  }
0x53: {  	_ =	shalt  }
0x54: {  	_ =	shalt  }
0x55: {  	_ =	shalt  }
0x56: {  	_ =	shalt  }
0x57: {  	_ =	shalt  }
0x58: {  	_ =	shalt  }
0x59: {  	_ =	shalt  }
0x5a: {  	_ =	shalt  }
0x5b: {  	_ =	shalt  }
0x5c: {  	_ =	shalt  }
0x5d: {  	_ =	shalt  }
0x5e: {  	_ =	shalt  }
0x5f: {  	_ =	shalt  }
0x60: {  	_ =	shalt  }
0x61: {  	_ =	shalt  }
0x62: {  	_ =	shalt  }
0x63: {  	_ =	shalt  }
0x64: {  	_ =	shalt  }
0x65: {  	_ =	shalt  }
0x66: {  	_ =	shalt  }
0x67: {  	_ =	shalt  }
0x68: {  	_ =	shalt  }
0x69: {  	_ =	shalt  }
0x6a: {  	_ =	shalt  }
0x6b: {  	_ =	shalt  }
0x6c: {  	_ =	shalt  }
0x6d: {  	_ =	shalt  }
0x6e: {  	_ =	shalt  }
0x6f: {  	_ =	shalt  }
0x70: {  	_ =	shalt  }
0x71: {  	_ =	shalt  }
0x72: {  	_ =	shalt  }
0x73: {  	_ =	shalt  }
0x74: {  	_ =	shalt  }
0x75: {  	_ =	shalt  }
0x76: {  	_ =	shalt  }
0x77: {  	_ =	shalt  }
0x78: {  	_ =	shalt  }
0x79: {  	_ =	shalt  }
0x7a: {  	_ =	shalt  }
0x7b: {  	_ =	shalt  }
0x7c: {  	_ =	shalt  }
0x7d: {  	_ =	shalt  }
0x7e: {  	_ =	shalt  }
0x7f: {  	_ =	shalt  }
0x80: {  	_ =	shalt  }
0x81: {  	_ =	shalt  }
0x82: {  	_ =	shalt  }
0x83: {  	_ =	shalt  }
0x84: {  	_ =	shalt  }
0x85: {  	_ =	shalt  }
0x86: {  	_ =	shalt  }
0x87: {  	_ =	shalt  }
.Lfunc_end0:
.L_simem_size_0:
called_computation.2_lowered:
.L_overlay_start_0:
0x88: {  	s2 =	sld [smem:$0x3FD9]  }
0x89: {  	s3 =	sld [smem:$0x3FFE];
	_ =	sdelay $0x1  }
0x8a: {  	s1 =	srdreg.scid  }
0x8b: {  	s0 =	sand.u32 $0x1, s1  }
0x8c: {  	s17 =	sshll.u32 s0, $0xA;
	s2 =	sadd.s32 s3, s2  }
0x8d: {  	s2 =	sadd.s32 s2, s17  }
0x8e: {  	[smem:$0x3FC6] =	sst s2  }
0x8f: {  	_ = 	snop  }
0x90: {  	s2 =	sld [smem:$0x3FD0];
	(tm) =	ssettm $0x1  }
0x91: {  	s18 =	sld [smem:$0x3FFB];
	_ =	sdelay $0x3  }
0x92: {  	_ =	strace s18  }
0x93: {  	s3 =	sld [smem:$0x3FFC];
	_ =	sdelay $0x3  }
0x94: {  	_ =	strace s3  }
0x95: {  	s3 =	sld [smem:$0x3FFD];
	_ =	sdelay $0x3  }
0x96: {  	_ =	strace s3  }
0x97: {  	_ =	strace $0x8FFFFFFF  }
0x98: {  	s19 =	sld [smem:$0x3FDB];
	_ =	sdelay $0x1  }
0x99: {  	s4 =	simm.s32 $_scs_section_size  }
0x9a: {  	s5 =	simm.s32 $_size__tile_overlayer_lowered;
	s6 =	simm.s32 $_tile_overlayer_lowered  }
0x9b: {  	s22 =	simm.s32 $0x1BFF;
	s21 =	sshll.u32 s6, $0x1;
	s3 =	sadd.s32 s4, s19  }
0x9c: {  	s7 =	simm.s32 $0x0;
	s20 =	sshll.u32 s5, $0x1;
	s5 =	sadd.s32 s21, s3  }
0x9d: {  	[timem:s7], [sflag:s22] =	dma.local [hbm:s5], s20  }
0x9e: {  	_ =	swait.ge [sflag:s22], s20  }
0x9f: {  	s4 =	ssub.s32 $0x0, s20;
	[sflag:s22] =	ssyncset.done $0x0  }
0xa0: {  	[sflag:s22] =	ssyncadd.s32 s4;
	_ =	sdelay $0x1  }
0xa1: {  	s23 =	simm.s32 $0x1B8B  }
0xa2: {  	_ =	swait.ge [sflag:s23], $0x1  }
0xa3: {  	[sflag:s23] =	ssyncset.done $0x0  }
0xa4: {  	s25 =	simm.s32 $0x1B8E;
	s24 =	sld [smem:$0x3FFE];
	[sflag:s23] =	ssyncadd.s32 $0xFFFFFFFF  }
0xa5: {  	s26 =	simm.s32 $execute0_lowered;
	[smem:$0x3FD2] =	sst s25  }
0xa6: {  	s5 =	sshll.u32 s26, $0x1;
	_ =	strace $0x80000046;
	[dreg:$0x1] =	wrdreg $0xFFFFFFFF  }
0xa7: {  	s28 =	simm.s32 $_size_execute0_lowered;
	s3 =	sadd.s32 s3, s5;
	[dreg:$0x0] =	wrdreg $0x0  }
0xa8: {  	s5 =	sshll.u32 s28, $0x1;
	[dreg:$0x2] =	wrdreg s3  }
0xa9: {  	[dreg:$0x3] =	wrdreg s5  }
0xaa: {  	[dreg:$0x4] =	wrdreg $0xC0  }
0xab: {  	_ =	task [dreg:s7], $0x5FFFF  }
0xac: {  	[dreg:$0x1] =	wrdreg $0xFFFFFFFF  }
0xad: {  	[dreg:$0x0] =	wrdreg $0x60  }
0xae: {  	[dreg:$0x2] =	wrdreg s24  }
0xaf: {  	[dreg:$0x3] =	wrdreg s2  }
0xb0: {  	[dreg:$0x4] =	wrdreg $0x9  }
0xb1: {  	_ =	task.clear_ibuf [dreg:s7], $0x5FFFF;
	_ =	strace $0x90000046  }
0xb2: {  	s29 =	simm.s32 $0x9;
	_ =	strace $0x80000048  }
0xb3: {  	_ =	swait.ge [sflag:s29], $0x1  }
0xb4: {  	[sflag:s29] =	ssyncadd.s32 $0xFFFFFFFF  }
0xb5: {  	_ =	strace $0x90000048  }
0xb6: {  	_ =	sfence  }
0xb7: {  	s30 =	sld [smem:$0x0];
	_ =	sdelay $0x2  }
0xb8: {  	s31 =	sshll.u32 s1, $0xD;
	s1 =	sshrl.u32 s1, $0x2  }
0xb9: {  	s3 =	sand.u32 $0x4000, s31;
	s1 =	sadd.s32 s1, s30  }
0xba: {  	s0 =	sor.u32 s3, s0;
	s1 =	sshll.u32 s1, $0x11  }
0xbb: {  	s0 =	sor.u32 s1, s0  }
0xbc: {  	s0 =	sadd.s32 $0x8F2B, s0  }
0xbd: {  	[sflag:s0] =	ssyncadd.remote.s32 $0x1  }
0xbe: {  	_ =	sfence.sel $0xFFFF  }
0xbf: {  	[dreg:$0x0] =	wrdreg $0xFFFFFFFF;
	(pc) =	sbr.abs _section_cstart, $3  }
0xc0: {  	[dreg:$0x1] =	wrdreg $0xFFFFFFFF  }
0xc1: {  	_ =	task.clear_ibuf [dreg:s7], $0x2FFFF;
	_ =	strace $0x9FFFFFFF  }
0xc2: {  	(tm) =	ssettm $0x7FFFFFFF  }
0xc3: {  	_ =	shalt  }
tec
execute0_lowered:
.L_overlay_start_1:
0x0: {  	(tag) =	ssettag $0x1  }
0x1: {  	s1 =	srdreg.scid;
	s5 =	rddreg [dreg:$0x0]  }
0x2: {  	s0 =	stileid.u32;
	s7 =	rddreg [dreg:$0x1]  }
0x3: {  	s2 =	simm.s32 $0x0;
	s11 =	simm.s32 $0xC800;
	s12 =	simm.s32 $0xFA00  }
0x4: {  	s13 =	simm.s32 $0x12C00;
	s14 =	simm.s32 $0x15E00;
	s15 =	simm.s32 $0x19000  }
0x5: {  	s16 =	simm.s32 $0x1C200;
	s17 =	simm.s32 $0x1;
	s18 =	simm.s32 $0x2  }
0x6: {  	s19 =	simm.s32 $0x3;
	s20 =	simm.s32 $0x4;
	s3 =	smul.u32 $0xC800, s0  }
0x7: {  	s4 =	sand.u32 $0x1, s1;
	s21 =	sshll.u32 s0, $0x1;
	s10 =	smul.u32 $0x32000, s0  }
0x8: {  	[smem:$0x7FF] =	sst s2;
	s1 =	sor.u32 s4, s21;
	s6 =	smul.u32 $0x6400, s4  }
0x9: {  	s24 =	ssub.s32 $0x2, s4;
	s4 =	smul.u32 $0x19000, s4;
	s21 =	simm.s32 $0x0  }
0xa: {  	s8 =	smul.u32 $0x6400, s1;
	s1 =	rddreg [dreg:$0x2];
	s3 =	sadd.s32 s6, s3  }
0xb: {  	_ =	strace $0x80000047;
	s29 =	sshrl.u32 s24, $0x1;
	s3 =	sshll.u32 s3, $0x2  }
0xc: {  	s22 =	sshrl.u32 s8, $0x3;
	s8 =	simm.s32 $0x190;
	s23 =	sadd.s32 s3, s7  }
0xd: {  	s6 =	sadd.s32 s22, s5;
	s3 =	sadd.s32 $0xF43200, s5;
	s9 =	sadd.s32 $0x1900, s23  }
0xe: {  	s7 =	sadd.s32 s10, s7;
	s25 =	sadd.s32 $0x1F40, s23;
	[dreg:$0x3] =	wrdreg s9  }
0xf: {  	s5 =	ssub.s32 s24, s29;
	s26 =	sadd.s32 $0x2580, s23;
	[dreg:$0x4] =	wrdreg s25  }
0x10: {  	s10 =	simm.s32 $0x9600;
	s28 =	sadd.s32 $0x2BC0, s23;
	[dreg:$0x5] =	wrdreg s26  }
0x11: {  	s4 =	sadd.s32 s4, s7;
	s30 =	sadd.s32 $0x12C0, s23;
	[dreg:$0x6] =	wrdreg s28  }
0x12: {  	s31 =	sadd.s32 $0xC80, s23;
	s5 =	smax.u32 s5, $0x1;
	[dreg:$0x7] =	wrdreg s4  }
0x13: {  	s7 =	simm.s32 $0x5;
	s4 =	sadd.s32 $0xE00, s6;
	[dreg:$0x8] =	wrdreg s30  }
0x14: {  	[dreg:$0x9] =	wrdreg s31;
	s6 =	sadd.s32 $0x640, s23;
	s9 =	simm.s32 $0x6400  }
.LBB2_1:
0x15: {  	[tilespmem:s2], [sflag:$0x5] =	stream.linear.gather [hbm4b:s4+s2], $0x6400, $0x38;
	[tilespmem:$0x1F400] =	vst v63  }
0x16: {  	p0 =	por $0x1, $0x1;
	_ =	swait.ge [sflag:s7], $0x6400  }
0x17: {  	p0 =	por p0, p0;
	[sflag:s7] =	ssyncset.done $0x0  }
0x18: {  	s22 =	simm.s32 @!p0 $0x3;
	[sflag:s7] =	ssyncadd.s32 $0xFFFF9C00  }
0x19: {  	_ =	swait.ge @!p0 [sflag:s22], $0x3200  }
0x1a: {  	[sflag:s22] =	ssyncset.done @!p0 $0x0  }
0x1b: {  	[sflag:s22] =	ssyncadd.s32 @!p0 $0xFFFFCE00  }
0x1c: {  	_ =	swait.ge @!p0 [sflag:s22], $0x3200  }
0x1d: {  	[sflag:s22] =	ssyncset.done @!p0 $0x0  }
0x1e: {  	[sflag:s22] =	ssyncadd.s32 @!p0 $0xFFFFCE00  }
0x1f: {  	_ =	swait.ge @!p0 [sflag:s22], $0x3200  }
0x20: {  	[sflag:s22] =	ssyncset.done @!p0 $0x0  }
0x21: {  	[sflag:s22] =	ssyncadd.s32 @!p0 $0xFFFFCE00  }
0x22: {  	_ =	swait.ge @!p0 [sflag:s22], $0x3200  }
0x23: {  	[sflag:s22] =	ssyncset.done @!p0 $0x0  }
0x24: {  	s28 =	simm.s32 $0x0;
	[sflag:s22] =	ssyncadd.s32 @!p0 $0xFFFFCE00  }
0x25: {  	[tilespmem:s9], [sflag:$0x1] =	stream.indirect.gather [hbm4b:s3+s8], $0x20, s28, s8, $0xb8;
	[tilespmem:$0x1F400] =	vst v63  }
0x26: {  	s29 =	simm.s32 $0x190  }
0x27: {  	[tilespmem:s10], [sflag:$0x1] =	stream.indirect.gather [hbm4b:s3+s8], $0x20, s29, s8, $0xb8;
	[tilespmem:$0x1F400] =	vst v63  }
0x28: {  	s30 =	simm.s32 $0x320  }
0x29: {  	[tilespmem:s11], [sflag:$0x1] =	stream.indirect.gather [hbm4b:s3+s8], $0x20, s30, s8, $0xb8;
	[tilespmem:$0x1F400] =	vst v63  }
0x2a: {  	s31 =	simm.s32 $0x4B0;
	s23 =	simm.s32 @!p0 $0x4  }
0x2b: {  	[tilespmem:s12], [sflag:$0x1] =	stream.indirect.gather [hbm4b:s3+s8], $0x20, s31, s8, $0xb8;
	[tilespmem:$0x1F400] =	vst v63  }
0x2c: {  	_ =	swait.ge @!p0 [sflag:s23], $0x3200  }
0x2d: {  	[sflag:s23] =	ssyncset.done @!p0 $0x0  }
0x2e: {  	[sflag:s23] =	ssyncadd.s32 @!p0 $0xFFFFCE00  }
0x2f: {  	_ =	swait.ge @!p0 [sflag:s23], $0x3200  }
0x30: {  	[sflag:s23] =	ssyncset.done @!p0 $0x0  }
0x31: {  	[sflag:s23] =	ssyncadd.s32 @!p0 $0xFFFFCE00  }
0x32: {  	_ =	swait.ge @!p0 [sflag:s23], $0x3200  }
0x33: {  	[sflag:s23] =	ssyncset.done @!p0 $0x0  }
0x34: {  	[sflag:s23] =	ssyncadd.s32 @!p0 $0xFFFFCE00  }
0x35: {  	_ =	swait.ge @!p0 [sflag:s23], $0x3200  }
0x36: {  	[sflag:s23] =	ssyncset.done @!p0 $0x0  }
0x37: {  	s24 =	simm.s32 $0x640;
	[sflag:s23] =	ssyncadd.s32 @!p0 $0xFFFFCE00  }
0x38: {  	[tilespmem:s13], [sflag:$0x2] =	stream.indirect.gather [hbm4b:s3+s8], $0x20, s24, s8, $0xb8;
	[tilespmem:$0x1F400] =	vst v63  }
0x39: {  	s25 =	simm.s32 $0x7D0  }
0x3a: {  	[tilespmem:s14], [sflag:$0x2] =	stream.indirect.gather [hbm4b:s3+s8], $0x20, s25, s8, $0xb8;
	[tilespmem:$0x1F400] =	vst v63  }
0x3b: {  	s26 =	simm.s32 $0x960  }
0x3c: {  	[tilespmem:s15], [sflag:$0x2] =	stream.indirect.gather [hbm4b:s3+s8], $0x20, s26, s8, $0xb8;
	[tilespmem:$0x1F400] =	vst v63  }
0x3d: {  	s28 =	simm.s32 $0xAF0  }
0x3e: {  	[tilespmem:s16], [sflag:$0x2] =	stream.indirect.gather [hbm4b:s3+s8], $0x20, s28, s8, $0xb8;
	[tilespmem:$0x1F400] =	vst v63  }
0x3f: {  	_ =	swait.ge [sflag:s17], $0x3200  }
0x40: {  	[sflag:s17] =	ssyncset.done $0x0  }
0x41: {  	[sflag:s17] =	ssyncadd.s32 $0xFFFFCE00  }
0x42: {  	_ =	swait.ge [sflag:s17], $0x3200  }
0x43: {  	[sflag:s17] =	ssyncset.done $0x0  }
0x44: {  	[sflag:s17] =	ssyncadd.s32 $0xFFFFCE00  }
0x45: {  	_ =	swait.ge [sflag:s17], $0x3200  }
0x46: {  	[sflag:s17] =	ssyncset.done $0x0  }
0x47: {  	[sflag:s17] =	ssyncadd.s32 $0xFFFFCE00  }
0x48: {  	_ =	swait.ge [sflag:s17], $0x3200  }
0x49: {  	s29 =	rddreg [dreg:$0x7];
	[sflag:s17] =	ssyncset.done $0x0  }
0x4a: {  	[sflag:s17] =	ssyncadd.s32 $0xFFFFCE00;
	s22 =	sadd.s32 $0x0, s29  }
0x4b: {  	[hbm4b:s22+s2] =	stream.linear.scatter [tilespmem:s9], [sflag:$0x3], $0x3200, $0x38;
	[tilespmem:$0x1F400] =	vst v63  }
0x4c: {  	s31 =	sadd.s32 $0x0, s6;
	s30 =	rddreg [dreg:$0x9]  }
0x4d: {  	[hbm4b:s31+s2] =	stream.linear.scatter [tilespmem:s10], [sflag:$0x3], $0x3200, $0x38;
	[tilespmem:$0x1F400] =	vst v63  }
0x4e: {  	s24 =	rddreg [dreg:$0x8];
	s23 =	sadd.s32 $0x0, s30  }
0x4f: {  	[hbm4b:s23+s2] =	stream.linear.scatter [tilespmem:s11], [sflag:$0x3], $0x3200, $0x38;
	[tilespmem:$0x1F400] =	vst v63  }
0x50: {  	s25 =	sadd.s32 $0x0, s24  }
0x51: {  	[hbm4b:s25+s2] =	stream.linear.scatter [tilespmem:s12], [sflag:$0x3], $0x3200, $0x38;
	[tilespmem:$0x1F400] =	vst v63  }
0x52: {  	_ =	swait.ge [sflag:s18], $0x3200  }
0x53: {  	[sflag:s18] =	ssyncset.done $0x0  }
0x54: {  	[sflag:s18] =	ssyncadd.s32 $0xFFFFCE00  }
0x55: {  	_ =	swait.ge [sflag:s18], $0x3200  }
0x56: {  	[sflag:s18] =	ssyncset.done $0x0  }
0x57: {  	[sflag:s18] =	ssyncadd.s32 $0xFFFFCE00  }
0x58: {  	_ =	swait.ge [sflag:s18], $0x3200  }
0x59: {  	[sflag:s18] =	ssyncset.done $0x0  }
0x5a: {  	[sflag:s18] =	ssyncadd.s32 $0xFFFFCE00  }
0x5b: {  	_ =	swait.ge [sflag:s18], $0x3200  }
0x5c: {  	p6 =	por $0x0, $0x0;
	s26 =	rddreg [dreg:$0x3]  }
0x5d: {  	p0 =	por p6, p6;
	s28 =	rddreg [dreg:$0x4];
	[sflag:s18] =	ssyncset.done $0x0  }
0x5e: {  	s29 =	rddreg [dreg:$0x5];
	[sflag:s18] =	ssyncadd.s32 $0xFFFFCE00;
	s22 =	sadd.s32 $0x0, s26  }
0x5f: {  	[hbm4b:s22+s2] =	stream.linear.scatter [tilespmem:s13], [sflag:$0x4], $0x3200, $0x38;
	[tilespmem:$0x1F400] =	vst v63  }
0x60: {  	s23 =	simm.s32 $0x6400;
	s25 =	rddreg [dreg:$0x6];
	s30 =	sadd.s32 $0x0, s28  }
0x61: {  	[hbm4b:s30+s2] =	stream.linear.scatter [tilespmem:s14], [sflag:$0x4], $0x3200, $0x38;
	[tilespmem:$0x1F400] =	vst v63  }
0x62: {  	s31 =	sadd.s32 $0x0, s29;
	s25 =	sadd.s32 $0x0, s25;
	s22 =	simm.s32 $0x3200  }
0x63: {  	[hbm4b:s31+s2] =	stream.linear.scatter [tilespmem:s15], [sflag:$0x4], $0x3200, $0x38;
	[tilespmem:$0x1F400] =	vst v63  }
.LBB2_2:
0x64: {  	[hbm4b:s25+s2] =	stream.linear.scatter [tilespmem:s16], [sflag:$0x4], $0x3200, $0x38;
	[tilespmem:$0x1F400] =	vst v63  }
0x65: {  	s25 =	simm.s32 @!p0 $0x3  }
0x66: {  	_ =	swait.ge @!p0 [sflag:s25], $0x3200  }
0x67: {  	[sflag:s25] =	ssyncset.done @!p0 $0x0  }
0x68: {  	[sflag:s25] =	ssyncadd.s32 @!p0 $0xFFFFCE00  }
0x69: {  	_ =	swait.ge @!p0 [sflag:s25], $0x3200  }
0x6a: {  	[sflag:s25] =	ssyncset.done @!p0 $0x0  }
0x6b: {  	[sflag:s25] =	ssyncadd.s32 @!p0 $0xFFFFCE00  }
0x6c: {  	_ =	swait.ge @!p0 [sflag:s25], $0x3200  }
0x6d: {  	[sflag:s25] =	ssyncset.done @!p0 $0x0  }
0x6e: {  	[sflag:s25] =	ssyncadd.s32 @!p0 $0xFFFFCE00  }
0x6f: {  	_ =	swait.ge @!p0 [sflag:s25], $0x3200  }
0x70: {  	[sflag:s25] =	ssyncset.done @!p0 $0x0  }
0x71: {  	[sflag:s25] =	ssyncadd.s32 @!p0 $0xFFFFCE00;
	s25 =	sshra.s32 s22, $0x2  }
0x72: {  	[tilespmem:s9], [sflag:$0x1] =	stream.indirect.gather [hbm4b:s3+s8], $0x20, s25, s8, $0xb8;
	[tilespmem:$0x1F400] =	vst v63  }
0x73: {  	s26 =	sadd.s32 $0x190, s25  }
0x74: {  	[tilespmem:s10], [sflag:$0x1] =	stream.indirect.gather [hbm4b:s3+s8], $0x20, s26, s8, $0xb8;
	[tilespmem:$0x1F400] =	vst v63  }
0x75: {  	s30 =	sadd.s32 $0x320, s25  }
0x76: {  	[tilespmem:s11], [sflag:$0x1] =	stream.indirect.gather [hbm4b:s3+s8], $0x20, s30, s8, $0xb8;
	[tilespmem:$0x1F400] =	vst v63  }
0x77: {  	s28 =	simm.s32 @!p0 $0x4;
	s31 =	sadd.s32 $0x4B0, s25  }
0x78: {  	[tilespmem:s12], [sflag:$0x1] =	stream.indirect.gather [hbm4b:s3+s8], $0x20, s31, s8, $0xb8;
	[tilespmem:$0x1F400] =	vst v63  }
0x79: {  	_ =	swait.ge @!p0 [sflag:s28], $0x3200  }
0x7a: {  	[sflag:s28] =	ssyncset.done @!p0 $0x0  }
0x7b: {  	[sflag:s28] =	ssyncadd.s32 @!p0 $0xFFFFCE00  }
0x7c: {  	_ =	swait.ge @!p0 [sflag:s28], $0x3200  }
0x7d: {  	[sflag:s28] =	ssyncset.done @!p0 $0x0  }
0x7e: {  	[sflag:s28] =	ssyncadd.s32 @!p0 $0xFFFFCE00  }
0x7f: {  	_ =	swait.ge @!p0 [sflag:s28], $0x3200  }
0x80: {  	[sflag:s28] =	ssyncset.done @!p0 $0x0  }
0x81: {  	[sflag:s28] =	ssyncadd.s32 @!p0 $0xFFFFCE00  }
0x82: {  	_ =	swait.ge @!p0 [sflag:s28], $0x3200  }
0x83: {  	[sflag:s28] =	ssyncset.done @!p0 $0x0  }
0x84: {  	s29 =	sadd.s32 $0x640, s25;
	[sflag:s28] =	ssyncadd.s32 @!p0 $0xFFFFCE00  }
0x85: {  	[tilespmem:s13], [sflag:$0x2] =	stream.indirect.gather [hbm4b:s3+s8], $0x20, s29, s8, $0xb8;
	[tilespmem:$0x1F400] =	vst v63  }
0x86: {  	s30 =	sadd.s32 $0x7D0, s25  }
0x87: {  	[tilespmem:s14], [sflag:$0x2] =	stream.indirect.gather [hbm4b:s3+s8], $0x20, s30, s8, $0xb8;
	[tilespmem:$0x1F400] =	vst v63  }
0x88: {  	s31 =	sadd.s32 $0x960, s25  }
0x89: {  	[tilespmem:s15], [sflag:$0x2] =	stream.indirect.gather [hbm4b:s3+s8], $0x20, s31, s8, $0xb8;
	[tilespmem:$0x1F400] =	vst v63  }
0x8a: {  	s25 =	sadd.s32 $0xAF0, s25  }
0x8b: {  	[tilespmem:s16], [sflag:$0x2] =	stream.indirect.gather [hbm4b:s3+s8], $0x20, s25, s8, $0xb8;
	[tilespmem:$0x1F400] =	vst v63  }
0x8c: {  	_ =	swait.ge [sflag:s17], $0x3200  }
0x8d: {  	[sflag:s17] =	ssyncset.done $0x0  }
0x8e: {  	[sflag:s17] =	ssyncadd.s32 $0xFFFFCE00  }
0x8f: {  	_ =	swait.ge [sflag:s17], $0x3200  }
0x90: {  	[sflag:s17] =	ssyncset.done $0x0  }
0x91: {  	[sflag:s17] =	ssyncadd.s32 $0xFFFFCE00  }
0x92: {  	_ =	swait.ge [sflag:s17], $0x3200  }
0x93: {  	[sflag:s17] =	ssyncset.done $0x0  }
0x94: {  	[sflag:s17] =	ssyncadd.s32 $0xFFFFCE00  }
0x95: {  	_ =	swait.ge [sflag:s17], $0x3200  }
0x96: {  	s28 =	rddreg [dreg:$0x7];
	[sflag:s17] =	ssyncset.done $0x0  }
0x97: {  	[sflag:s17] =	ssyncadd.s32 $0xFFFFCE00;
	s25 =	sadd.s32 s22, s28  }
0x98: {  	[hbm4b:s25+s2] =	stream.linear.scatter [tilespmem:s9], [sflag:$0x3], $0x3200, $0x38;
	[tilespmem:$0x1F400] =	vst v63  }
0x99: {  	s30 =	sadd.s32 s22, s6;
	s29 =	rddreg [dreg:$0x9]  }
0x9a: {  	[hbm4b:s30+s2] =	stream.linear.scatter [tilespmem:s10], [sflag:$0x3], $0x3200, $0x38;
	[tilespmem:$0x1F400] =	vst v63  }
0x9b: {  	s31 =	rddreg [dreg:$0x8];
	s26 =	sadd.s32 s22, s29  }
0x9c: {  	[hbm4b:s26+s2] =	stream.linear.scatter [tilespmem:s11], [sflag:$0x3], $0x3200, $0x38;
	[tilespmem:$0x1F400] =	vst v63  }
0x9d: {  	s28 =	sadd.s32 s22, s31  }
0x9e: {  	[hbm4b:s28+s2] =	stream.linear.scatter [tilespmem:s12], [sflag:$0x3], $0x3200, $0x38;
	[tilespmem:$0x1F400] =	vst v63  }
0x9f: {  	_ =	swait.ge [sflag:s18], $0x3200  }
0xa0: {  	[sflag:s18] =	ssyncset.done $0x0  }
0xa1: {  	[sflag:s18] =	ssyncadd.s32 $0xFFFFCE00  }
0xa2: {  	_ =	swait.ge [sflag:s18], $0x3200  }
0xa3: {  	[sflag:s18] =	ssyncset.done $0x0  }
0xa4: {  	[sflag:s18] =	ssyncadd.s32 $0xFFFFCE00  }
0xa5: {  	_ =	swait.ge [sflag:s18], $0x3200  }
0xa6: {  	[sflag:s18] =	ssyncset.done $0x0  }
0xa7: {  	[sflag:s18] =	ssyncadd.s32 $0xFFFFCE00  }
0xa8: {  	s24 =	smov.u32 s23;
	s23 =	sadd.s32 $0x3200, s23;
	_ =	swait.ge [sflag:s18], $0x3200  }
0xa9: {  	p1 =	sne.s32 s23, $0x19000;
	s29 =	rddreg [dreg:$0x3];
	[sflag:s18] =	ssyncset.done $0x0  }
0xaa: {  	s30 =	rddreg [dreg:$0x4];
	[sflag:s18] =	ssyncadd.s32 $0xFFFFCE00;
	s25 =	sadd.s32 s22, s29  }
0xab: {  	[hbm4b:s25+s2] =	stream.linear.scatter [tilespmem:s13], [sflag:$0x4], $0x3200, $0x38;
	[tilespmem:$0x1F400] =	vst v63  }
.Ltmp0:
0xac: {  	p2 =	seq.s32 s24, $0x0;
	s31 =	rddreg [dreg:$0x5];
	(pc) =	sbr.rel @p1 .LBB2_2-.Ltmp0, $4  }
0xad: {  	p0 =	por p2, p2;
	s29 =	rddreg [dreg:$0x6];
	s30 =	sadd.s32 s22, s30  }
0xae: {  	[hbm4b:s30+s2] =	stream.linear.scatter [tilespmem:s14], [sflag:$0x4], $0x3200, $0x38;
	[tilespmem:$0x1F400] =	vst v63  }
0xaf: {  	s31 =	sadd.s32 s22, s31;
	s25 =	sadd.s32 s22, s29;
	s22 =	smov.u32 s24  }
0xb0: {  	[hbm4b:s31+s2] =	stream.linear.scatter [tilespmem:s15], [sflag:$0x4], $0x3200, $0x38;
	[tilespmem:$0x1F400] =	vst v63  }
0xb1: {  	[hbm4b:s25+s2] =	stream.linear.scatter [tilespmem:s16], [sflag:$0x4], $0x3200, $0x38;
	[tilespmem:$0x1F400] =	vst v63  }
0xb2: {  	s23 =	simm.s32 @!p0 $0x3  }
0xb3: {  	_ =	swait.ge @!p0 [sflag:s23], $0x3200  }
0xb4: {  	[sflag:s23] =	ssyncset.done @!p0 $0x0  }
0xb5: {  	[sflag:s23] =	ssyncadd.s32 @!p0 $0xFFFFCE00  }
0xb6: {  	_ =	swait.ge @!p0 [sflag:s23], $0x3200  }
0xb7: {  	[sflag:s23] =	ssyncset.done @!p0 $0x0  }
0xb8: {  	[sflag:s23] =	ssyncadd.s32 @!p0 $0xFFFFCE00  }
0xb9: {  	_ =	swait.ge @!p0 [sflag:s23], $0x3200  }
0xba: {  	[sflag:s23] =	ssyncset.done @!p0 $0x0  }
0xbb: {  	[sflag:s23] =	ssyncadd.s32 @!p0 $0xFFFFCE00  }
0xbc: {  	_ =	swait.ge @!p0 [sflag:s23], $0x3200  }
0xbd: {  	[sflag:s23] =	ssyncset.done @!p0 $0x0  }
0xbe: {  	s26 =	sshra.s32 s22, $0x2;
	[sflag:s23] =	ssyncadd.s32 @!p0 $0xFFFFCE00  }
0xbf: {  	[tilespmem:s9], [sflag:$0x1] =	stream.indirect.gather [hbm4b:s3+s8], $0x20, s26, s8, $0xb8;
	[tilespmem:$0x1F400] =	vst v63  }
0xc0: {  	s24 =	sadd.s32 $0x190, s26  }
0xc1: {  	[tilespmem:s10], [sflag:$0x1] =	stream.indirect.gather [hbm4b:s3+s8], $0x20, s24, s8, $0xb8;
	[tilespmem:$0x1F400] =	vst v63  }
0xc2: {  	s28 =	sadd.s32 $0x320, s26  }
0xc3: {  	[tilespmem:s11], [sflag:$0x1] =	stream.indirect.gather [hbm4b:s3+s8], $0x20, s28, s8, $0xb8;
	[tilespmem:$0x1F400] =	vst v63  }
0xc4: {  	s25 =	simm.s32 @!p0 $0x4;
	s29 =	sadd.s32 $0x4B0, s26  }
0xc5: {  	[tilespmem:s12], [sflag:$0x1] =	stream.indirect.gather [hbm4b:s3+s8], $0x20, s29, s8, $0xb8;
	[tilespmem:$0x1F400] =	vst v63  }
0xc6: {  	_ =	swait.ge @!p0 [sflag:s25], $0x3200  }
0xc7: {  	[sflag:s25] =	ssyncset.done @!p0 $0x0  }
0xc8: {  	[sflag:s25] =	ssyncadd.s32 @!p0 $0xFFFFCE00  }
0xc9: {  	_ =	swait.ge @!p0 [sflag:s25], $0x3200  }
0xca: {  	[sflag:s25] =	ssyncset.done @!p0 $0x0  }
0xcb: {  	[sflag:s25] =	ssyncadd.s32 @!p0 $0xFFFFCE00  }
0xcc: {  	_ =	swait.ge @!p0 [sflag:s25], $0x3200  }
0xcd: {  	[sflag:s25] =	ssyncset.done @!p0 $0x0  }
0xce: {  	[sflag:s25] =	ssyncadd.s32 @!p0 $0xFFFFCE00  }
0xcf: {  	_ =	swait.ge @!p0 [sflag:s25], $0x3200  }
0xd0: {  	[sflag:s25] =	ssyncset.done @!p0 $0x0  }
0xd1: {  	s30 =	sadd.s32 $0x640, s26;
	[sflag:s25] =	ssyncadd.s32 @!p0 $0xFFFFCE00  }
0xd2: {  	[tilespmem:s13], [sflag:$0x2] =	stream.indirect.gather [hbm4b:s3+s8], $0x20, s30, s8, $0xb8;
	[tilespmem:$0x1F400] =	vst v63  }
0xd3: {  	s31 =	sadd.s32 $0x7D0, s26  }
0xd4: {  	[tilespmem:s14], [sflag:$0x2] =	stream.indirect.gather [hbm4b:s3+s8], $0x20, s31, s8, $0xb8;
	[tilespmem:$0x1F400] =	vst v63  }
0xd5: {  	s25 =	sadd.s32 $0x960, s26  }
0xd6: {  	[tilespmem:s15], [sflag:$0x2] =	stream.indirect.gather [hbm4b:s3+s8], $0x20, s25, s8, $0xb8;
	[tilespmem:$0x1F400] =	vst v63  }
0xd7: {  	s23 =	sadd.s32 $0xAF0, s26  }
0xd8: {  	[tilespmem:s16], [sflag:$0x2] =	stream.indirect.gather [hbm4b:s3+s8], $0x20, s23, s8, $0xb8;
	[tilespmem:$0x1F400] =	vst v63  }
0xd9: {  	_ =	swait.ge [sflag:s17], $0x3200  }
0xda: {  	[sflag:s17] =	ssyncset.done $0x0  }
0xdb: {  	[sflag:s17] =	ssyncadd.s32 $0xFFFFCE00  }
0xdc: {  	_ =	swait.ge [sflag:s17], $0x3200  }
0xdd: {  	[sflag:s17] =	ssyncset.done $0x0  }
0xde: {  	[sflag:s17] =	ssyncadd.s32 $0xFFFFCE00  }
0xdf: {  	_ =	swait.ge [sflag:s17], $0x3200  }
0xe0: {  	[sflag:s17] =	ssyncset.done $0x0  }
0xe1: {  	[sflag:s17] =	ssyncadd.s32 $0xFFFFCE00  }
0xe2: {  	_ =	swait.ge [sflag:s17], $0x3200  }
0xe3: {  	s26 =	rddreg [dreg:$0x7];
	[sflag:s17] =	ssyncset.done $0x0  }
0xe4: {  	[sflag:s17] =	ssyncadd.s32 $0xFFFFCE00;
	s23 =	sadd.s32 s22, s26  }
0xe5: {  	[hbm4b:s23+s2] =	stream.linear.scatter [tilespmem:s9], [sflag:$0x3], $0x3200, $0x38;
	[tilespmem:$0x1F400] =	vst v63  }
0xe6: {  	s29 =	sadd.s32 s22, s6;
	s28 =	rddreg [dreg:$0x9]  }
0xe7: {  	[hbm4b:s29+s2] =	stream.linear.scatter [tilespmem:s10], [sflag:$0x3], $0x3200, $0x38;
	[tilespmem:$0x1F400] =	vst v63  }
0xe8: {  	s30 =	rddreg [dreg:$0x8];
	s31 =	sadd.s32 s22, s28  }
0xe9: {  	[hbm4b:s31+s2] =	stream.linear.scatter [tilespmem:s11], [sflag:$0x3], $0x3200, $0x38;
	[tilespmem:$0x1F400] =	vst v63  }
0xea: {  	s24 =	sadd.s32 s22, s30  }
0xeb: {  	[hbm4b:s24+s2] =	stream.linear.scatter [tilespmem:s12], [sflag:$0x3], $0x3200, $0x38;
	[tilespmem:$0x1F400] =	vst v63  }
0xec: {  	_ =	swait.ge [sflag:s18], $0x3200  }
0xed: {  	[sflag:s18] =	ssyncset.done $0x0  }
0xee: {  	[sflag:s18] =	ssyncadd.s32 $0xFFFFCE00  }
0xef: {  	_ =	swait.ge [sflag:s18], $0x3200  }
0xf0: {  	[sflag:s18] =	ssyncset.done $0x0  }
0xf1: {  	[sflag:s18] =	ssyncadd.s32 $0xFFFFCE00  }
0xf2: {  	_ =	swait.ge [sflag:s18], $0x3200  }
0xf3: {  	[sflag:s18] =	ssyncset.done $0x0  }
0xf4: {  	[sflag:s18] =	ssyncadd.s32 $0xFFFFCE00  }
0xf5: {  	_ =	swait.ge [sflag:s18], $0x3200  }
0xf6: {  	s25 =	rddreg [dreg:$0x3];
	[sflag:s18] =	ssyncset.done $0x0  }
0xf7: {  	s26 =	rddreg [dreg:$0x4];
	[sflag:s18] =	ssyncadd.s32 $0xFFFFCE00;
	s23 =	sadd.s32 s22, s25  }
0xf8: {  	[hbm4b:s23+s2] =	stream.linear.scatter [tilespmem:s13], [sflag:$0x4], $0x3200, $0x38;
	[tilespmem:$0x1F400] =	vst v63  }
0xf9: {  	s28 =	rddreg [dreg:$0x5];
	s24 =	sadd.s32 s22, s26  }
0xfa: {  	[hbm4b:s24+s2] =	stream.linear.scatter [tilespmem:s14], [sflag:$0x4], $0x3200, $0x38;
	[tilespmem:$0x1F400] =	vst v63  }
0xfb: {  	s29 =	rddreg [dreg:$0x6];
	s30 =	sadd.s32 s22, s28  }
0xfc: {  	[hbm4b:s30+s2] =	stream.linear.scatter [tilespmem:s15], [sflag:$0x4], $0x3200, $0x38;
	[tilespmem:$0x1F400] =	vst v63  }
0xfd: {  	s31 =	sadd.s32 s22, s29  }
0xfe: {  	[hbm4b:s31+s2] =	stream.linear.scatter [tilespmem:s16], [sflag:$0x4], $0x3200, $0x38;
	[tilespmem:$0x1F400] =	vst v63  }
0xff: {  	_ =	swait.ge [sflag:s19], $0x3200  }
0x100: {  	[sflag:s19] =	ssyncset.done $0x0  }
0x101: {  	[sflag:s19] =	ssyncadd.s32 $0xFFFFCE00  }
0x102: {  	_ =	swait.ge [sflag:s19], $0x3200  }
0x103: {  	[sflag:s19] =	ssyncset.done $0x0  }
0x104: {  	[sflag:s19] =	ssyncadd.s32 $0xFFFFCE00  }
0x105: {  	_ =	swait.ge [sflag:s19], $0x3200  }
0x106: {  	[sflag:s19] =	ssyncset.done $0x0  }
0x107: {  	[sflag:s19] =	ssyncadd.s32 $0xFFFFCE00  }
0x108: {  	_ =	swait.ge [sflag:s19], $0x3200  }
0x109: {  	[sflag:s19] =	ssyncset.done $0x0  }
0x10a: {  	[sflag:s19] =	ssyncadd.s32 $0xFFFFCE00  }
0x10b: {  	_ =	swait.ge [sflag:s20], $0x3200  }
0x10c: {  	[sflag:s20] =	ssyncset.done $0x0  }
0x10d: {  	[sflag:s20] =	ssyncadd.s32 $0xFFFFCE00  }
0x10e: {  	_ =	swait.ge [sflag:s20], $0x3200  }
0x10f: {  	[sflag:s20] =	ssyncset.done $0x0  }
0x110: {  	s21 =	sadd.s32 $0x1, s21;
	[sflag:s20] =	ssyncadd.s32 $0xFFFFCE00  }
0x111: {  	p0 =	sne.s32 s21, s5;
	_ =	swait.ge [sflag:s20], $0x3200  }
.Ltmp1:
0x112: {  	[sflag:s20] =	ssyncset.done $0x0;
	(pc) =	sbr.rel @p0 .LBB2_1-.Ltmp1, $4  }
0x113: {  	[sflag:s20] =	ssyncadd.s32 $0xFFFFCE00  }
0x114: {  	_ =	swait.ge [sflag:s20], $0x3200  }
0x115: {  	[sflag:s20] =	ssyncset.done $0x0  }
0x116: {  	[sflag:s20] =	ssyncadd.s32 $0xFFFFCE00  }
0x117: {  	_ =	sfence.sel $0x180000  }
0x118: {  	[bflag:$0x0] =	sbarrier.arrive $0xFFFF  }
0x119: {  	p0 =	sne.s32 s0, $0x0;
	_ =	strace $0x90000047  }
0x11a: {  	s0 =	sadd.s32 @!p0 $0x100000, s1;
	[bflag:$0x2] =	sbarrier.arrive $0xFFFF  }
0x11b: {  	[sflag:s0] =	ssyncadd.tile.s32 @!p0 $0x1;
	_ =	shalt  }
.Lfunc_end2:
_tile_overlayer_lowered:
.L_overlay_start_2:
0x11c: {  	(tag) =	ssettag $0x2  }
0x11d: {  	s0 =	rddreg [dreg:$0x0];
	s2 =	stileid.u32  }
0x11e: {  	s1 =	rddreg [dreg:$0x1];
	p0 =	sne.s32 s2, $0x0  }
0x11f: {  	s3 =	rddreg [dreg:$0x2];
	[bflag:$0x3] =	sbarrier.arrive $0xFFFF;
	s2 =	simm.s32 @!p0 $0x1C05  }
0x120: {  	[timem:s3], [sflag:s2] =	dma.local @!p0 [hbm:s0], s1  }
0x121: {  	s0 =	simm.s32 @!p0 $0x5  }
0x122: {  	_ =	swait.ge @!p0 [sflag:s0], s1  }
0x123: {  	s1 =	ssub.s32 @!p0 $0x0, s1;
	[sflag:s0] =	ssyncset.done @!p0 $0x0  }
0x124: {  	[sflag:s0] =	ssyncadd.s32 @!p0 s1  }
0x125: {  	[bflag:$0x3] =	sbarrier.arrive $0xFFFF  }
0x126: {  	_ =	shalt  }

// kernel: sparse-core-data-format-call.1.cloned.1.call-start
scs
called_computation.1_lowered:
.L_overlay_start_0:
0x0: {  	s2 =	sld [smem:$0x3FD9]  }
0x1: {  	s3 =	sld [smem:$0x3FFE];
	_ =	sdelay $0x1  }
0x2: {  	s1 =	srdreg.scid  }
0x3: {  	s0 =	sand.u32 $0x1, s1  }
0x4: {  	s18 =	sshll.u32 s0, $0xA;
	s2 =	sadd.s32 s3, s2  }
0x5: {  	s2 =	sadd.s32 s2, s18  }
0x6: {  	[smem:$0x3FC6] =	sst s2  }
0x7: {  	_ = 	snop  }
0x8: {  	s2 =	sld [smem:$0x3FD0];
	(tm) =	ssettm $0x1  }
0x9: {  	s19 =	sld [smem:$0x3FFB];
	_ =	sdelay $0x3  }
0xa: {  	_ =	strace s19  }
0xb: {  	s3 =	sld [smem:$0x3FFC];
	_ =	sdelay $0x3  }
0xc: {  	_ =	strace s3  }
0xd: {  	s3 =	sld [smem:$0x3FFD];
	_ =	sdelay $0x3  }
0xe: {  	_ =	strace s3  }
0xf: {  	_ =	strace $0x8FFFFFFF  }
0x10: {  	s20 =	sld [smem:$0x3FDB];
	_ =	sdelay $0x1  }
0x11: {  	s4 =	simm.s32 $_scs_section_size  }
0x12: {  	s5 =	simm.s32 $_size__tile_overlayer_lowered;
	s6 =	simm.s32 $_tile_overlayer_lowered  }
0x13: {  	s23 =	simm.s32 $0x1BFF;
	s22 =	sshll.u32 s6, $0x1;
	s3 =	sadd.s32 s4, s20  }
0x14: {  	s7 =	simm.s32 $0x0;
	s21 =	sshll.u32 s5, $0x1;
	s5 =	sadd.s32 s22, s3  }
0x15: {  	[timem:s7], [sflag:s23] =	dma.local [hbm:s5], s21  }
0x16: {  	_ =	swait.ge [sflag:s23], s21  }
0x17: {  	s4 =	ssub.s32 $0x0, s21;
	[sflag:s23] =	ssyncset.done $0x0  }
0x18: {  	[sflag:s23] =	ssyncadd.s32 s4;
	_ =	sdelay $0x1  }
0x19: {  	s24 =	simm.s32 $0x1B8B  }
0x1a: {  	_ =	swait.ge [sflag:s24], $0x1  }
0x1b: {  	[sflag:s24] =	ssyncset.done $0x0  }
0x1c: {  	s26 =	simm.s32 $0x1B8E;
	s25 =	sld [smem:$0x3FFE];
	[sflag:s24] =	ssyncadd.s32 $0xFFFFFFFF  }
0x1d: {  	s27 =	simm.s32 $execute0_lowered;
	[smem:$0x3FD2] =	sst s26  }
0x1e: {  	s5 =	sshll.u32 s27, $0x1;
	_ =	strace $0x80000049;
	[dreg:$0x1] =	wrdreg $0xFFFFFFFF  }
0x1f: {  	s28 =	simm.s32 $_size_execute0_lowered;
	s3 =	sadd.s32 s3, s5;
	[dreg:$0x0] =	wrdreg $0x0  }
0x20: {  	s5 =	sshll.u32 s28, $0x1;
	[dreg:$0x2] =	wrdreg s3  }
0x21: {  	[dreg:$0x3] =	wrdreg s5  }
0x22: {  	[dreg:$0x4] =	wrdreg $0xC0  }
0x23: {  	_ =	task [dreg:s7], $0x5FFFF  }
0x24: {  	[dreg:$0x1] =	wrdreg $0xFFFFFFFF  }
0x25: {  	[dreg:$0x0] =	wrdreg $0x60  }
0x26: {  	[dreg:$0x2] =	wrdreg s25  }
0x27: {  	[dreg:$0x3] =	wrdreg s2  }
0x28: {  	[dreg:$0x4] =	wrdreg $0x9  }
0x29: {  	_ =	task.clear_ibuf [dreg:s7], $0x5FFFF;
	_ =	strace $0x90000049  }
0x2a: {  	s29 =	simm.s32 $0x9;
	_ =	strace $0x8000004B  }
0x2b: {  	_ =	swait.ge [sflag:s29], $0x1  }
0x2c: {  	[sflag:s29] =	ssyncadd.s32 $0xFFFFFFFF  }
0x2d: {  	_ =	strace $0x9000004B  }
0x2e: {  	_ =	sfence  }
0x2f: {  	s30 =	sld [smem:$0x0];
	_ =	sdelay $0x2  }
0x30: {  	s31 =	sshll.u32 s1, $0xD;
	s1 =	sshrl.u32 s1, $0x2  }
0x31: {  	s3 =	sand.u32 $0x4000, s31;
	s1 =	sadd.s32 s1, s30  }
0x32: {  	s0 =	sor.u32 s3, s0;
	s1 =	sshll.u32 s1, $0x11  }
0x33: {  	s0 =	sor.u32 s1, s0  }
0x34: {  	s0 =	sadd.s32 $0x8F2B, s0  }
0x35: {  	[sflag:s0] =	ssyncadd.remote.s32 $0x1  }
0x36: {  	_ =	sfence.sel $0xFFFF  }
0x37: {  	[dreg:$0x0] =	wrdreg $0xFFFFFFFF;
	(pc) =	sbr.abs _section_cstart, $3  }
0x38: {  	[dreg:$0x1] =	wrdreg $0xFFFFFFFF  }
0x39: {  	_ =	task.clear_ibuf [dreg:s7], $0x2FFFF;
	_ =	strace $0x9FFFFFFF  }
0x3a: {  	(tm) =	ssettm $0x7FFFFFFF  }
0x3b: {  	_ =	shalt  }
tec
execute0_lowered:
.L_overlay_start_1:
0x0: {  	(tag) =	ssettag $0x1  }
0x1: {  	s0 =	srdreg.scid  }
0x2: {  	s1 =	sshll.u32 s0, $0x4  }
0x3: {  	s4 =	rddreg [dreg:$0x0];
	s0 =	stileid.u32;
	s1 =	sand.u32 $0x10, s1  }
0x4: {  	s2 =	rddreg [dreg:$0x1];
	s7 =	simm.s32 $0x1;
	s1 =	sor.u32 s0, s1  }
0x5: {  	s8 =	simm.s32 $0x2;
	s11 =	simm.s32 $0x0;
	s3 =	sshll.u32 s1, $0x7  }
0x6: {  	s10 =	simm.s32 $0x0;
	s4 =	sadd.s32 $0xE00, s4;
	s6 =	ssub.s32 $0xC8000, s3  }
.Ltmp0:
0x7: {  	s1 =	rddreg [dreg:$0x2];
	s5 =	sand.u32 $0xF80, s6;
	(pc) =	sbr.rel .LBB1_1-.Ltmp0, $4  }
0x8: {  	_ =	strace $0x8000004A;
	s9 =	smov.u32 s3;
	p0 =	sne.s32 s5, $0x0  }
0x9: {  	s6 =	sshrl.u32 s6, $0xC;
	s5 =	simm.s32 $0x1;
	s7 =	simm.s32 @!p0 $0x0  }
0xa: {  	[sflag:s5] =	ssyncpa.u1 $0x0;
	p0 =	por $0x0, $0x0;
	s6 =	sadd.s32 s7, s6  }
0xb: {  	[sflag:s8] =	ssyncpa.u1 $0x0;
	s8 =	simm.s32 $0x640000;
	s7 =	sadd.s32 $0x1, s6  }
.LBB1_4:
0xc: {  	s14 =	sshll.u32 s11, $0x3  }
0xd: {  	s30 =	sand.u32 $0x7F, s11;
	s15 =	sand.u32 $0xFFFFFC00, s14  }
0xe: {  	s11 =	sor.u32 s30, s15  }
0xf: {  	s15 =	smulhi.u32 $0x51EB851F, s11  }
0x10: {  	s14 =	smulhi.u32 $0x51EB851F, s14  }
0x11: {  	s15 =	sshrl.u32 s15, $0x12  }
0x12: {  	s14 =	sshrl.u32 s14, $0x12;
	s15 =	smul.u32 $0xC8000, s15  }
0x13: {  	s14 =	sand.u32 $0x1F, s14  }
0x14: {  	s14 =	smul.u32 $0x19000, s14;
	s11 =	ssub.s32 s11, s15  }
0x15: {  	s15 =	sand.u32 $0x7, s11  }
0x16: {  	s14 =	sadd.s32 s2, s14;
	s11 =	sshrl.u32 s11, $0x3;
	s15 =	sshll.u32 s15, $0x12  }
0x17: {  	[tilespmem:s13+$0x0 ss:$0x81] =	vst.msk $0xffff, v0;
	s11 =	sadd.s32 s11, s14;
	s31 =	sor.u32 $0x400, s15  }
0x18: {  	[hbm4b:s11+s31] =	stream.strided.scatter [tilespmem:s12], [sflag:$0x2], $0x1000, s8, s31, $0x20;
	[tilespmem:$0x4040] =	vst v63  }
.LBB1_5:
0x19: {  	s13 =	sadd.s32 $0x1000, s9  }
0x1a: {  	p2 =	sgt.s32 s13, $0xC7FFF  }
0x1b: {  	s13 =	smov.u32 @p2 s3;
	p2 =	sne.s32 s10, s7  }
.Ltmp1:
0x1c: {  	p1 =	slt.u32 s10, $0x2;
	(pc) =	sbr.rel @!p2 .LBB1_6-.Ltmp1, $4  }
0x1d: {  	s12 =	simm.s32 @!p1 $0x2  }
0x1e: {  	s14 =	sadd.s32 $0x1, s10;
	_ =	swait.ge @!p1 [sflag:s12], $0x1000  }
0x1f: {  	s11 =	smov.u32 s9;
	p0 =	por !p0, !p0;
	[sflag:s12] =	ssyncset.done @!p1 $0x0  }
0x20: {  	s10 =	smov.u32 s14;
	s9 =	smov.u32 s13;
	[sflag:s12] =	ssyncadd.s32 @!p1 $0xFFFFF000  }
.LBB1_1:
0x21: {  	p1 =	sge.u32 s10, s6  }
0x22: {  	s12 =	sand.u32 @!p1 $0x1FFFFFF, s9  }
0x23: {  	s13 =	smulhi.u32 @!p1 $0x147AE15, s12;
	_ =	sdelay $0x1  }
0x24: {  	s13 =	sshrl.u32 @!p1 s13, $0xC  }
0x25: {  	s13 =	smul.u32 @!p1 $0xC8000, s13;
	_ =	sdelay $0x1  }
0x26: {  	s31 =	sadd.s32 $0xFFFFFFFF, s10;
	s14 =	sxor.u32 @!p1 $0xFFFFFFFF, s10;
	s12 =	ssub.s32 @!p1 s12, s13  }
0x27: {  	s15 =	simm.s32 @!p1 $0x80;
	s14 =	sshll.u32 @!p1 s14, $0xC;
	s12 =	sshll.u32 @!p1 s12, $0x4  }
0x28: {  	s13 =	sand.u32 @!p1 $0x1000, s14;
	s14 =	simm.s32 @!p1 $0x20;
	s12 =	sadd.s32 @!p1 s4, s12  }
0x29: {  	[tilespmem:s13], [sflag:$0x1] =	stream.strided.gather @!p1 [hbm4b:s12+s14], $0x1000, s15, s14, $0x38;
	[tilespmem:$0x4040] =	vst v63  }
0x2a: {  	p1 =	sge.u32 s31, s6  }
.Ltmp2:
0x2b: {  	_ = 	snop;
	(pc) =	sbr.rel @p1 .LBB1_5-.Ltmp2, $1  }
0x2c: {  	_ =	sdelay $0x3  }
0x2d: {  	s12 =	simm.s32 $0x1  }
0x2e: {  	_ =	swait.ge [sflag:s5], $0x1000;
	s12 =	simm.s32 @!p0 $0x0  }
0x2f: {  	[sflag:s5] =	ssyncset.done $0x0;
	s13 =	sshll.u32 s12, $0xC  }
0x30: {  	[sflag:s5] =	ssyncadd.s32 $0xFFFFF000;
	s16 =	sor.u32 $0x10, s13  }
0x31: {  	s12 =	smul.u32 $0x4080, s12;
	v1 =	vld [tilespmem:s16+$0x0]  }
0x32: {  	s30 =	sand.u32 $0x1, s10;
	v0 =	vld [tilespmem:s16+$0xFFFFFFF0]  }
0x33: {  	s13 =	smul.u32 $0x4080, s30;
	s12 =	sshrl.u32 s12, $0x2  }
0x34: {  	s14 =	sor.u32 $0x2000, s12  }
0x35: {  	s31 =	sshrl.u32 s13, $0x2;
	s13 =	sadd.s32 $0x0, s14  }
0x36: {  	s15 =	simm.s32 $0x4;
	s16 =	sadd.s32 $0x20, s16;
	s12 =	sor.u32 $0x2000, s31;
	[tilespmem:s13+$0x810 ss:$0x81] =	vst.msk $0xffff, v1  }
.LBB1_3:
0x37: {  	v1 =	vld [tilespmem:s16+$0x0];
	p1 =	sne.s32 s15, $0x1FC;
	[tilespmem:s13+$0x0 ss:$0x81] =	vst.msk $0xffff, v0;
	s13 =	smov.u32 s15;
	s15 =	sadd.s32 $0x4, s15  }
.Ltmp3:
0x38: {  	v0 =	vld [tilespmem:s16+$0xFFFFFFF0];
	(pc) =	sbr.rel @p1 .LBB1_3-.Ltmp3, $4  }
0x39: {  	_ = 	snop  }
0x3a: {  	s13 =	sshra.s32 s13, $0x2  }
0x3b: {  	s13 =	sadd.s32 s13, s14  }
0x3c: {  	s16 =	sadd.s32 $0x20, s16;
	[tilespmem:s13+$0x810 ss:$0x81] =	vst.msk $0xffff, v1  }
.Ltmp4:
0x3d: {  	_ = 	snop;
	(pc) =	sbr.rel .LBB1_4-.Ltmp4, $1  }
0x3e: {  	_ =	sdelay $0x3  }
.LBB1_6:
0x3f: {  	_ =	sfence.sel $0x180000  }
0x40: {  	s2 =	simm.s32 $0x1;
	[bflag:$0x0] =	sbarrier.arrive $0xFFFF  }
0x41: {  	s31 =	simm.s32 $0x2;
	[sflag:s2] =	ssyncpa.u1 $0x1  }
0x42: {  	[sflag:s31] =	ssyncpa.u1 $0x1  }
0x43: {  	p0 =	sne.s32 s0, $0x0;
	_ =	strace $0x9000004A  }
0x44: {  	s0 =	sadd.s32 @!p0 $0x100000, s1;
	[bflag:$0x2] =	sbarrier.arrive $0xFFFF  }
0x45: {  	[sflag:s0] =	ssyncadd.tile.s32 @!p0 $0x1;
	_ =	shalt  }
.Lfunc_end1:
_tile_overlayer_lowered:
.L_overlay_start_2:
0x46: {  	(tag) =	ssettag $0x2  }
0x47: {  	s0 =	rddreg [dreg:$0x0];
	s2 =	stileid.u32  }
0x48: {  	s1 =	rddreg [dreg:$0x1];
	p0 =	sne.s32 s2, $0x0  }
0x49: {  	s3 =	rddreg [dreg:$0x2];
	[bflag:$0x3] =	sbarrier.arrive $0xFFFF;
	s2 =	simm.s32 @!p0 $0x1C01  }
0x4a: {  	[timem:s3], [sflag:s2] =	dma.local @!p0 [hbm:s0], s1  }
0x4b: {  	s0 =	simm.s32 @!p0 $0x1  }
0x4c: {  	_ =	swait.ge @!p0 [sflag:s0], s1  }
0x4d: {  	s1 =	ssub.s32 @!p0 $0x0, s1;
	[sflag:s0] =	ssyncset.done @!p0 $0x0  }
0x4e: {  	[sflag:s0] =	ssyncadd.s32 @!p0 s1  }
0x4f: {  	[bflag:$0x3] =	sbarrier.arrive $0xFFFF  }
0x50: {  	_ =	shalt  }

// kernel: sparse-core-data-format-call.cloned.1.call-start
scs
called_computation_lowered:
.L_overlay_start_0:
0x0: {  	s2 =	sld [smem:$0x3FD9]  }
0x1: {  	s3 =	sld [smem:$0x3FFE];
	_ =	sdelay $0x1  }
0x2: {  	s1 =	srdreg.scid  }
0x3: {  	s0 =	sand.u32 $0x1, s1  }
0x4: {  	s18 =	sshll.u32 s0, $0xA;
	s2 =	sadd.s32 s3, s2  }
0x5: {  	s2 =	sadd.s32 s2, s18  }
0x6: {  	[smem:$0x3FC6] =	sst s2  }
0x7: {  	_ = 	snop  }
0x8: {  	s2 =	sld [smem:$0x3FD0];
	(tm) =	ssettm $0x1  }
0x9: {  	s19 =	sld [smem:$0x3FFB];
	_ =	sdelay $0x3  }
0xa: {  	_ =	strace s19  }
0xb: {  	s3 =	sld [smem:$0x3FFC];
	_ =	sdelay $0x3  }
0xc: {  	_ =	strace s3  }
0xd: {  	s3 =	sld [smem:$0x3FFD];
	_ =	sdelay $0x3  }
0xe: {  	_ =	strace s3  }
0xf: {  	_ =	strace $0x8FFFFFFF  }
0x10: {  	s20 =	sld [smem:$0x3FDB];
	_ =	sdelay $0x1  }
0x11: {  	s4 =	simm.s32 $_scs_section_size  }
0x12: {  	s5 =	simm.s32 $_size__tile_overlayer_lowered;
	s6 =	simm.s32 $_tile_overlayer_lowered  }
0x13: {  	s23 =	simm.s32 $0x1BFF;
	s22 =	sshll.u32 s6, $0x1;
	s3 =	sadd.s32 s4, s20  }
0x14: {  	s7 =	simm.s32 $0x0;
	s21 =	sshll.u32 s5, $0x1;
	s5 =	sadd.s32 s22, s3  }
0x15: {  	[timem:s7], [sflag:s23] =	dma.local [hbm:s5], s21  }
0x16: {  	_ =	swait.ge [sflag:s23], s21  }
0x17: {  	s4 =	ssub.s32 $0x0, s21;
	[sflag:s23] =	ssyncset.done $0x0  }
0x18: {  	[sflag:s23] =	ssyncadd.s32 s4;
	_ =	sdelay $0x1  }
0x19: {  	s24 =	simm.s32 $0x1B8B  }
0x1a: {  	_ =	swait.ge [sflag:s24], $0x1  }
0x1b: {  	[sflag:s24] =	ssyncset.done $0x0  }
0x1c: {  	s26 =	simm.s32 $0x1B8E;
	s25 =	sld [smem:$0x3FFE];
	[sflag:s24] =	ssyncadd.s32 $0xFFFFFFFF  }
0x1d: {  	s27 =	simm.s32 $execute0_lowered;
	[smem:$0x3FD2] =	sst s26  }
0x1e: {  	s5 =	sshll.u32 s27, $0x1;
	_ =	strace $0x8000004C;
	[dreg:$0x1] =	wrdreg $0xFFFFFFFF  }
0x1f: {  	s28 =	simm.s32 $_size_execute0_lowered;
	s3 =	sadd.s32 s3, s5;
	[dreg:$0x0] =	wrdreg $0x0  }
0x20: {  	s5 =	sshll.u32 s28, $0x1;
	[dreg:$0x2] =	wrdreg s3  }
0x21: {  	[dreg:$0x3] =	wrdreg s5  }
0x22: {  	[dreg:$0x4] =	wrdreg $0xC0  }
0x23: {  	_ =	task [dreg:s7], $0x5FFFF  }
0x24: {  	[dreg:$0x1] =	wrdreg $0xFFFFFFFF  }
0x25: {  	[dreg:$0x0] =	wrdreg $0x60  }
0x26: {  	[dreg:$0x2] =	wrdreg s25  }
0x27: {  	[dreg:$0x3] =	wrdreg s2  }
0x28: {  	[dreg:$0x4] =	wrdreg $0x9  }
0x29: {  	_ =	task.clear_ibuf [dreg:s7], $0x5FFFF;
	_ =	strace $0x9000004C  }
0x2a: {  	s29 =	simm.s32 $0x9;
	_ =	strace $0x8000004E  }
0x2b: {  	_ =	swait.ge [sflag:s29], $0x1  }
0x2c: {  	[sflag:s29] =	ssyncadd.s32 $0xFFFFFFFF  }
0x2d: {  	_ =	strace $0x9000004E  }
0x2e: {  	_ =	sfence  }
0x2f: {  	s30 =	sld [smem:$0x0];
	_ =	sdelay $0x2  }
0x30: {  	s31 =	sshll.u32 s1, $0xD;
	s1 =	sshrl.u32 s1, $0x2  }
0x31: {  	s3 =	sand.u32 $0x4000, s31;
	s1 =	sadd.s32 s1, s30  }
0x32: {  	s0 =	sor.u32 s3, s0;
	s1 =	sshll.u32 s1, $0x11  }
0x33: {  	s0 =	sor.u32 s1, s0  }
0x34: {  	s0 =	sadd.s32 $0x8F2B, s0  }
0x35: {  	[sflag:s0] =	ssyncadd.remote.s32 $0x1  }
0x36: {  	_ =	sfence.sel $0xFFFF  }
0x37: {  	[dreg:$0x0] =	wrdreg $0xFFFFFFFF;
	(pc) =	sbr.abs _section_cstart, $3  }
0x38: {  	[dreg:$0x1] =	wrdreg $0xFFFFFFFF  }
0x39: {  	_ =	task.clear_ibuf [dreg:s7], $0x2FFFF;
	_ =	strace $0x9FFFFFFF  }
0x3a: {  	(tm) =	ssettm $0x7FFFFFFF  }
0x3b: {  	_ =	shalt  }
tec
execute0_lowered:
.L_overlay_start_1:
0x0: {  	(tag) =	ssettag $0x1  }
0x1: {  	s8 =	rddreg [dreg:$0x0]  }
0x2: {  	s2 =	rddreg [dreg:$0x1];
	s1 =	stileid.u32  }
0x3: {  	s4 =	srdreg.scid;
	s0 =	rddreg [dreg:$0x2];
	_ =	strace $0x8000004D  }
0x4: {  	s9 =	simm.s32 $0x1;
	s31 =	simm.s32 $0x2;
	s16 =	simm.s32 $0x0  }
0x5: {  	s17 =	simm.s32 $0x0;
	s11 =	simm.s32 $0x0;
	s12 =	simm.s32 $0x0  }
0x6: {  	s15 =	simm.s32 $0x0;
	s3 =	sshll.u32 s1, $0x1;
	s4 =	sshll.u32 s4, $0x7  }
0x7: {  	s4 =	sand.u32 $0x80, s4;
	s5 =	ssub.s32 $0x20, s3;
	s14 =	smov.u32 s3  }
0x8: {  	s6 =	sshrl.u32 s5, $0x5;
	s5 =	sand.u32 $0x1E, s5;
	s7 =	ssub.s32 $0x4000, s4  }
0x9: {  	p0 =	sne.s32 s5, $0x0;
	s30 =	sshrl.u32 s7, $0x7;
	s7 =	sshrl.u32 s7, $0x8  }
.Ltmp0:
0xa: {  	s9 =	simm.s32 @!p0 $0x0;
	s10 =	sand.u32 $0x1, s30;
	(pc) =	sbr.rel .LBB1_1-.Ltmp0, $4  }
0xb: {  	s5 =	simm.s32 $0x1;
	s6 =	sadd.s32 s9, s6;
	s7 =	sadd.s32 s7, s10  }
0xc: {  	s13 =	smov.u32 s4;
	[sflag:s5] =	ssyncpa.u1 $0x0;
	s6 =	smul.u32 s6, s7  }
0xd: {  	p0 =	por $0x0, $0x0;
	[sflag:s31] =	ssyncpa.u1 $0x0;
	s10 =	simm.s32 $0x80000  }
0xe: {  	s7 =	sadd.s32 $0xE00, s8;
	s8 =	sadd.s32 $0x40E00, s8;
	s9 =	sadd.s32 $0x1, s6  }
.LBB1_7:
0xf: {  	p1 =	slt.u32 s15, $0x2  }
0x10: {  	s19 =	smov.u32 s17;
	p2 =	sgt.s32 @!p1 s17, $0x1E;
	s18 =	sshra.s32 @!p1 s17, $0x1F  }
0x11: {  	p3 =	sgt.s32 @!p1 s16, $0x3F80;
	s20 =	sshra.s32 @!p1 s16, $0x1F;
	p2 =	por !p2, p1  }
0x12: {  	s17 =	sand.u32 @!p1 s18, s17;
	p3 =	por !p3, p1;
	s18 =	smov.u32 s16  }
0x13: {  	s16 =	sand.u32 @!p1 s20, s16;
	s19 =	simm.s32 @p2 $0x1E;
	s18 =	simm.s32 @p3 $0x3F80  }
0x14: {  	s20 =	smov.u32 s14;
	s17 =	ssub.s32 @!p1 s19, s17;
	s16 =	ssub.s32 @!p1 s18, s16  }
0x15: {  	s18 =	sadd.s32 @!p1 $0xFFFFFFE2, s17;
	s17 =	ssub.s32 @!p1 $0x20, s17;
	s19 =	sadd.s32 @!p1 $0xFFFFC080, s16  }
0x16: {  	p2 =	sgt.s32 @!p1 s18, $0x1;
	s17 =	smul.u32 @!p1 $0x32, s17;
	p3 =	sgt.s32 @!p1 s19, $0x7F  }
0x17: {  	s16 =	ssub.s32 @!p1 $0x4000, s16;
	p2 =	por !p2, p1;
	p3 =	por !p3, p1  }
0x18: {  	s18 =	sadd.s32 $0x100, s13;
	s17 =	simm.s32 @!p2 $0x0;
	s16 =	simm.s32 @!p3 $0x0  }
0x19: {  	p2 =	sgt.s32 s18, $0x3FFF;
	s16 =	smul.u32 @!p1 s16, s17;
	s17 =	sadd.s32 $0x20, s14  }
0x1a: {  	s20 =	smov.u32 @p2 s17  }
0x1b: {  	s18 =	smov.u32 @p2 s4;
	p2 =	sgt.s32 s20, $0x1F  }
0x1c: {  	s20 =	smov.u32 @p2 s3;
	p2 =	sne.s32 s15, s9  }
.Ltmp1:
0x1d: {  	p0 =	por !p0, !p0;
	s19 =	simm.s32 @!p1 $0x2;
	(pc) =	sbr.rel @!p2 .LBB1_8-.Ltmp1, $4  }
0x1e: {  	s17 =	smov.u32 s12;
	s12 =	smov.u32 s14;
	s16 =	sand.u32 @!p1 $0x3FFFFFFE, s16  }
0x1f: {  	_ =	swait.ge @!p1 [sflag:s19], s16;
	s21 =	ssub.s32 @!p1 $0x0, s16;
	s16 =	smov.u32 s11  }
0x20: {  	s15 =	sadd.s32 $0x1, s15;
	s11 =	smov.u32 s13;
	[sflag:s19] =	ssyncset.done @!p1 $0x0  }
0x21: {  	s13 =	smov.u32 s18;
	s14 =	smov.u32 s20;
	[sflag:s19] =	ssyncadd.s32 @!p1 s21  }
.LBB1_1:
0x22: {  	p1 =	sge.u32 s15, s6  }
0x23: {  	s18 =	sxor.u32 @!p1 $0xFFFFFFFF, s15;
	s19 =	sshll.u32 @!p1 s14, $0x12  }
0x24: {  	s20 =	sshll.u32 @!p1 s13, $0x4;
	s22 =	simm.s32 @!p1 $0x40;
	s23 =	simm.s32 @!p1 $0x80  }
0x25: {  	s18 =	sshll.u32 @!p1 s18, $0xE;
	s20 =	sand.u32 @!p1 $0x3FFF0, s20;
	s21 =	sadd.s32 @!p1 s7, s19  }
0x26: {  	s19 =	sadd.s32 @!p1 s19, s8;
	s18 =	sand.u32 @!p1 $0x4000, s18;
	s21 =	sadd.s32 @!p1 s20, s21  }
0x27: {  	[tilespmem:s18], [sflag:$0x1] =	stream.strided.gather @!p1 [hbm4b:s21+s22], $0x2000, s23, s22, $0x38;
	[tilespmem:$0x10100] =	vst v63  }
0x28: {  	s31 =	sadd.s32 $0xFFFFFFFF, s15;
	s19 =	sadd.s32 @!p1 s20, s19;
	s18 =	sor.u32 @!p1 $0x2000, s18  }
0x29: {  	[tilespmem:s18], [sflag:$0x1] =	stream.strided.gather @!p1 [hbm4b:s19+s22], $0x2000, s23, s22, $0x38;
	[tilespmem:$0x10100] =	vst v63  }
0x2a: {  	p1 =	sge.u32 s31, s6  }
.Ltmp2:
0x2b: {  	_ = 	snop;
	(pc) =	sbr.rel @p1 .LBB1_7-.Ltmp2, $1  }
0x2c: {  	_ =	sdelay $0x3  }
0x2d: {  	s18 =	simm.s32 $0x1;
	s20 =	sand.u32 $0x1, s15  }
0x2e: {  	_ =	swait.ge [sflag:s5], $0x4000;
	s18 =	simm.s32 @!p0 $0x0;
	s20 =	smul.u32 $0x10200, s20  }
0x2f: {  	p2 =	por $0x1, $0x1;
	[sflag:s5] =	ssyncset.done $0x0;
	s19 =	smul.u32 $0x10200, s18  }
0x30: {  	s21 =	sshll.u32 s18, $0x10;
	[sflag:s5] =	ssyncadd.s32 $0xFFFFC000;
	s30 =	sshrl.u32 s20, $0x2  }
0x31: {  	s31 =	sshrl.u32 s21, $0x2;
	s21 =	simm.s32 $0x0;
	s19 =	sshrl.u32 s19, $0x2  }
0x32: {  	s18 =	sor.u32 $0x8000, s30;
	s20 =	sadd.s32 $0x20, s31;
	s19 =	sor.u32 $0x8000, s19  }
.LBB1_3:
0x33: {  	s22 =	sshll.u32 s21, $0xD  }
0x34: {  	s22 =	sand.u32 $0x3FFFE000, s22  }
0x35: {  	s24 =	sadd.s32 s22, s20  }
0x36: {  	s31 =	smul.u32 $0x204, s21;
	v3 =	vld [tilespmem:s24+$0x10]  }
0x37: {  	v1 =	vld [tilespmem:s24+$0xFFFFFFF0]  }
0x38: {  	s21 =	sshra.s32 s31, $0x2;
	v0 =	vld [tilespmem:s24+$0x0]  }
0x39: {  	s21 =	sadd.s32 s21, s19;
	v2 =	vld [tilespmem:s24+$0xFFFFFFE0]  }
0x3a: {  	s22 =	sadd.s32 $0x0, s21  }
0x3b: {  	p1 =	por p2, p2;
	s23 =	simm.s32 $0x4;
	s24 =	sadd.s32 $0x40, s24;
	[tilespmem:s22+$0x3060 ss:$0x102] =	vst.msk $0xffff, v3  }
.LBB1_4:
0x3c: {  	v3 =	vld [tilespmem:s24+$0x10];
	p2 =	sne.s32 s23, $0x1FC;
	[tilespmem:s22+$0x1020 ss:$0x102] =	vst.msk $0xffff, v1;
	s25 =	smov.u32 s23;
	s23 =	sadd.s32 $0x4, s23  }
.Ltmp3:
0x3d: {  	v1 =	vld [tilespmem:s24+$0xFFFFFFF0];
	[tilespmem:s22+$0x2040 ss:$0x102] =	vst.msk $0xffff, v0;
	(pc) =	sbr.rel @p2 .LBB1_4-.Ltmp3, $4  }
0x3e: {  	v0 =	vld [tilespmem:s24+$0x0];
	[tilespmem:s22+$0x0 ss:$0x102] =	vst.msk $0xffff, v2  }
0x3f: {  	s22 =	sshra.s32 s25, $0x2;
	v2 =	vld [tilespmem:s24+$0xFFFFFFE0]  }
0x40: {  	s22 =	sadd.s32 s22, s21  }
0x41: {  	s24 =	sadd.s32 $0x40, s24;
	[tilespmem:s22+$0x3060 ss:$0x102] =	vst.msk $0xffff, v3  }
.Ltmp4:
0x42: {  	(pc) =	sbr.rel @p1 .LBB1_3-.Ltmp4, $4  }
0x43: {  	_ = 	snop  }
0x44: {  	[tilespmem:s22+$0x1020 ss:$0x102] =	vst.msk $0xffff, v1  }
0x45: {  	[tilespmem:s22+$0x2040 ss:$0x102] =	vst.msk $0xffff, v0  }
0x46: {  	s21 =	simm.s32 $0x1;
	p2 =	por $0x0, $0x0;
	[tilespmem:s22+$0x0 ss:$0x102] =	vst.msk $0xffff, v2  }
0x47: {  	s19 =	sand.u32 $0x78, s11;
	p1 =	sgt.s32 s12, $0x1E;
	s20 =	smov.u32 s12  }
0x48: {  	s21 =	sshra.s32 s12, $0x1F;
	s22 =	sshll.u32 s12, $0xE;
	s23 =	sshll.u32 s11, $0x3  }
0x49: {  	s30 =	sshra.s32 s11, $0x1F;
	s25 =	sshll.u32 s12, $0x7;
	s20 =	simm.s32 @!p1 $0x1E  }
0x4a: {  	s21 =	sand.u32 s21, s12;
	s22 =	sand.u32 $0x60000, s22;
	p1 =	sgt.s32 s11, $0x3F80  }
0x4b: {  	s25 =	sand.u32 $0x380, s25;
	s20 =	ssub.s32 s20, s21;
	s21 =	smov.u32 s11  }
0x4c: {  	s22 =	sadd.s32 s22, s23;
	s24 =	sadd.s32 $0xFFFFFFE2, s20;
	s21 =	simm.s32 @!p1 $0x3F80  }
0x4d: {  	s20 =	ssub.s32 $0x20, s20;
	p1 =	sgt.s32 s24, $0x1;
	s24 =	sand.u32 s30, s11  }
0x4e: {  	s23 =	sand.u32 $0x3C00, s23;
	s20 =	smul.u32 $0x32, s20;
	s21 =	ssub.s32 s21, s24  }
0x4f: {  	s19 =	sor.u32 s25, s19;
	s22 =	sand.u32 $0x7C000, s22;
	s24 =	sadd.s32 $0xFFFFC080, s21  }
0x50: {  	s20 =	simm.s32 @p1 $0x0;
	s21 =	ssub.s32 $0x4000, s21;
	p1 =	sgt.s32 s24, $0x7F  }
.Ltmp5:
0x51: {  	s19 =	sor.u32 s23, s19;
	s21 =	simm.s32 @p1 $0x0;
	(pc) =	sbr.rel .LBB1_7-.Ltmp5, $4  }
0x52: {  	s31 =	sand.u32 $0x7, s11;
	s19 =	sor.u32 s22, s19;
	s20 =	smul.u32 s21, s20  }
0x53: {  	s19 =	sshrl.u32 s19, $0x3;
	s21 =	sshll.u32 s31, $0x12  }
0x54: {  	s19 =	sadd.s32 s2, s19;
	s21 =	sor.u32 $0x100, s21;
	s20 =	sand.u32 $0x3FFFFFFE, s20  }
0x55: {  	[hbm4b:s19+s21] =	stream.strided.scatter [tilespmem:s18], [sflag:$0x2], s20, s10, s21, $0x20;
	[tilespmem:$0x10100] =	vst v63  }
.LBB1_8:
0x56: {  	_ =	sfence.sel $0x180000  }
0x57: {  	s2 =	simm.s32 $0x1;
	[bflag:$0x0] =	sbarrier.arrive $0xFFFF  }
0x58: {  	s31 =	simm.s32 $0x2;
	[sflag:s2] =	ssyncpa.u1 $0x1  }
0x59: {  	[sflag:s31] =	ssyncpa.u1 $0x1  }
0x5a: {  	p0 =	sne.s32 s1, $0x0;
	_ =	strace $0x9000004D  }
0x5b: {  	s0 =	sadd.s32 @!p0 $0x100000, s0;
	[bflag:$0x2] =	sbarrier.arrive $0xFFFF  }
0x5c: {  	[sflag:s0] =	ssyncadd.tile.s32 @!p0 $0x1;
	_ =	shalt  }
.Lfunc_end1:
_tile_overlayer_lowered:
.L_overlay_start_2:
0x5d: {  	(tag) =	ssettag $0x2  }
0x5e: {  	s0 =	rddreg [dreg:$0x0];
	s2 =	stileid.u32  }
0x5f: {  	s1 =	rddreg [dreg:$0x1];
	p0 =	sne.s32 s2, $0x0  }
0x60: {  	s3 =	rddreg [dreg:$0x2];
	[bflag:$0x3] =	sbarrier.arrive $0xFFFF;
	s2 =	simm.s32 @!p0 $0x1C01  }
0x61: {  	[timem:s3], [sflag:s2] =	dma.local @!p0 [hbm:s0], s1  }
0x62: {  	s0 =	simm.s32 @!p0 $0x1  }
0x63: {  	_ =	swait.ge @!p0 [sflag:s0], s1  }
0x64: {  	s1 =	ssub.s32 @!p0 $0x0, s1;
	[sflag:s0] =	ssyncset.done @!p0 $0x0  }
0x65: {  	[sflag:s0] =	ssyncadd.s32 @!p0 s1  }
0x66: {  	[bflag:$0x3] =	sbarrier.arrive $0xFFFF  }
0x67: {  	_ =	shalt  }

</sc_bundles>
